<compile_context>
chip_gen: v7x
topology: tpu7x:2x2x1
jax: 0.10.2.dev20260603
libtpu: 0.0.44.dev20260713+nightly
codegen_flags: <defaults>
</compile_context>

<pallas_src>
import functools

import jax
import jax.numpy as jnp
from jax import lax
from jax.experimental import pallas as pl
from jax.experimental.pallas import tpu as pltpu
from jax.experimental.pallas import tpu_sc as plsc

_B, _H, _W, _F = 16, 32, 32, 256
_K = 2


def _sc_body(row_hbm, col_hbm, out_hbm, tile_v, sem_in, sem_out):
    wid = lax.axis_index("s") * 2 + lax.axis_index("c")
    r = wid
    copies = [
        pltpu.make_async_copy(col_hbm.at[pl.ds(0, _W)], tile_v.at[:, pl.ds(0, _F)], sem_in)
    ]
    for i in range(_W):
        copies.append(
            pltpu.make_async_copy(
                row_hbm.at[pl.ds(r, 1)], tile_v.at[pl.ds(i, 1), pl.ds(_F, _F)], sem_in
            )
        )
    for c in copies:
        c.start()
    for c in copies:
        c.wait()
    outs = [
        pltpu.make_async_copy(
            tile_v, out_hbm.at[pl.ds((b * _H + r) * _W, _W)], sem_out
        )
        for b in range(_K)
    ]
    for c in outs:
        c.start()
    for c in outs:
        c.wait()


def _tc_body(donated_ref, row_ref, col_ref, out_ref, slab, sem):
    del donated_ref
    col = col_ref[0:_W, :]
    row = row_ref[0:_H, :]
    x_part = jnp.broadcast_to(col[None, None, :, :], (1, _H, _W, _F))
    y_part = jnp.broadcast_to(row[None, :, None, :], (1, _H, _W, _F))
    slab[...] = jnp.concatenate([x_part, y_part], axis=-1)
    copies = [
        pltpu.make_async_copy(slab, out_ref.at[pl.ds(b, 1)], sem)
        for b in range(_K, _B)
    ]
    for c in copies:
        c.start()
    for c in copies:
        c.wait()


def kernel(img, row_embed, col_embed):
    del img
    mesh = plsc.VectorSubcoreMesh(core_axis_name="c", subcore_axis_name="s")
    sc = functools.partial(
        pl.kernel,
        mesh=mesh,
        out_type=jax.ShapeDtypeStruct((_B * _H * _W, 2 * _F), jnp.float32),
        scratch_types=[
            pltpu.VMEM((_W, 2 * _F), jnp.float32),
            pltpu.SemaphoreType.DMA,
            pltpu.SemaphoreType.DMA,
        ],
    )(_sc_body)
    sc_out = sc(row_embed, col_embed).reshape(_B, _H, _W, 2 * _F)
    return pl.pallas_call(
        _tc_body,
        in_specs=[
            pl.BlockSpec(memory_space=pl.ANY),
            pl.BlockSpec(memory_space=pltpu.VMEM),
            pl.BlockSpec(memory_space=pltpu.VMEM),
        ],
        out_specs=pl.BlockSpec(memory_space=pl.ANY),
        out_shape=jax.ShapeDtypeStruct((_B, _H, _W, 2 * _F), jnp.float32),
        scratch_shapes=[
            pltpu.VMEM((1, _H, _W, 2 * _F), jnp.float32),
            pltpu.SemaphoreType.DMA,
        ],
        input_output_aliases={0: 0},
    )(sc_out, row_embed, col_embed)

# --- scband reference (transcript-rebuilt; emitter-appended) ---
"""Pipeline reference for scband-position-embedding-learned-81707457839677 (READ-ONLY COPY).

The authoritative reference and input builder live on the scoring server;
editing this copy changes nothing except your own understanding.
"""

import jax, jax.numpy as jnp
import numpy as np

NUM_POS_FEATS = 256

def setup_inputs(seed: int = 0) -> dict:
    key = jax.random.key(seed)
    k1, k2, k3 = jax.random.split(key, 3)
    img = jax.random.normal(k1, (16, 32, 32, 768), dtype=jnp.float32)
    # Learned embedding tables (Keras Embedding default: uniform init)
    row_embed = jax.random.uniform(k2, (50, NUM_POS_FEATS), dtype=jnp.float32, minval=-0.05, maxval=0.05)
    col_embed = jax.random.uniform(k3, (50, NUM_POS_FEATS), dtype=jnp.float32, minval=-0.05, maxval=0.05)
    return {"img": img, "row_embed": row_embed, "col_embed": col_embed}

def reference(img, row_embed, col_embed):
    b = img.shape[0]
    h, w = img.shape[1], img.shape[2]
    i = jnp.arange(w)
    j = jnp.arange(h)
    x_emb = jnp.take(col_embed, i, axis=0)  # [w, F]
    y_emb = jnp.take(row_embed, j, axis=0)  # [h, F]
    x_part = jnp.repeat(jnp.expand_dims(x_emb, axis=0), repeats=h, axis=0)  # [h, w, F]
    y_part = jnp.repeat(jnp.expand_dims(y_emb, axis=1), repeats=w, axis=1)  # [h, w, F]
    pos = jnp.concatenate((x_part, y_part), axis=-1)  # [h, w, 2F]
    pos = jnp.repeat(jnp.expand_dims(pos, axis=0), repeats=b, axis=0)  # [b, h, w, 2F]
    return pos

if __name__ == "__main__":
    import jax
    _d = setup_inputs()
    print(jax.jit(kernel)(*tuple(_d.values())))

</pallas_src>

<mosaic_0001>
#map = affine_map<(d0, d1) -> (0, 0)>
module attributes {stable_mosaic.version = 14 : i64} {
  func.func @_sc_body(%arg0: i32, %arg1: i32, %arg2: memref<50x256xf32, #tpu.memory_space<hbm>>, %arg3: memref<50x256xf32, #tpu.memory_space<hbm>>, %arg4: memref<16384x512xf32, #tpu.memory_space<hbm>>, %arg5: memref<32x512xf32, #tpu.memory_space<vmem>>, %arg6: memref<!tpu.dma_semaphore, #tpu.memory_space<semaphore_mem>>, %arg7: memref<!tpu.dma_semaphore, #tpu.memory_space<semaphore_mem>>) attributes {dimension_semantics = [#tpu.dimension_semantics<core_parallel>, #tpu.dimension_semantics<subcore_parallel>], iteration_bounds = array<i64: 2, 16>, scalar_prefetch = 0 : i64, scratch_operands = 3 : i64, tpu.core_type = #tpu.core_type<sc_vector_subcore>, window_params = [{transform_indices = #map}, {transform_indices = #map}, {transform_indices = #map}]} {
    %mul3A = arith.constant 2 : i32
    %mul3A_0 = arith.muli %arg1, %mul3A : i32
    %add3A = arith.addi %mul3A_0, %arg0 : i32
    %dma_start3A = arith.constant 0 : i32
    %dma_start3A_1 = arith.constant 0 : i32
    %dma_start3A_2 = tpu.memref_slice %arg5[%dma_start3A, %dma_start3A_1] : memref<32x512xf32, #tpu.memory_space<vmem>> -> memref<32x256xf32, #tpu.memory_space<vmem>>
    %dma_start3A_3 = arith.constant 0 : i32
    %dma_start3A_4 = arith.constant 0 : i32
    %dma_start3A_5 = tpu.memref_slice %arg3[%dma_start3A_3, %dma_start3A_4] : memref<50x256xf32, #tpu.memory_space<hbm>> -> memref<32x256xf32, #tpu.memory_space<hbm>>
    %dma_start3A_6 = arith.constant 0 : i32
    %dma_start3A_7 = arith.constant 0 : i32
    %dma_start3A_8 = tpu.memref_slice %arg5[%dma_start3A_6, %dma_start3A_7] : memref<32x512xf32, #tpu.memory_space<vmem>> -> memref<32x256xf32, #tpu.memory_space<vmem>>
    %dma_start3A_9 = arith.constant 0 : i32
    %dma_start3A_10 = arith.constant 0 : i32
    %dma_start3A_11 = tpu.memref_slice %arg3[%dma_start3A_9, %dma_start3A_10] : memref<50x256xf32, #tpu.memory_space<hbm>> -> memref<32x256xf32, #tpu.memory_space<hbm>>
    tpu.enqueue_dma source(%dma_start3A_11 : memref<32x256xf32, #tpu.memory_space<hbm>>) target(%dma_start3A_8 : memref<32x256xf32, #tpu.memory_space<vmem>>) target_semaphore(%arg6 : memref<!tpu.dma_semaphore, #tpu.memory_space<semaphore_mem>>)
    %dma_start3A_12 = arith.constant 0 : i32
    %dma_start3A_13 = arith.constant 256 : i32
    %dma_start3A_14 = tpu.memref_slice %arg5[%dma_start3A_12, %dma_start3A_13] : memref<32x512xf32, #tpu.memory_space<vmem>> -> memref<1x256xf32, #tpu.memory_space<vmem>>
    %dma_start3A_15 = arith.constant 0 : i32
    %dma_start3A_16 = tpu.memref_slice %arg2[%add3A, %dma_start3A_15] : memref<50x256xf32, #tpu.memory_space<hbm>> -> memref<1x256xf32, #tpu.memory_space<hbm>>
    %dma_start3A_17 = arith.constant 0 : i32
    %dma_start3A_18 = arith.constant 256 : i32
    %dma_start3A_19 = tpu.memref_slice %arg5[%dma_start3A_17, %dma_start3A_18] : memref<32x512xf32, #tpu.memory_space<vmem>> -> memref<1x256xf32, #tpu.memory_space<vmem>>
    %dma_start3A_20 = arith.constant 0 : i32
    %dma_start3A_21 = tpu.memref_slice %arg2[%add3A, %dma_start3A_20] : memref<50x256xf32, #tpu.memory_space<hbm>> -> memref<1x256xf32, #tpu.memory_space<hbm>>
    tpu.enqueue_dma source(%dma_start3A_21 : memref<1x256xf32, #tpu.memory_space<hbm>>) target(%dma_start3A_19 : memref<1x256xf32, #tpu.memory_space<vmem>>) target_semaphore(%arg6 : memref<!tpu.dma_semaphore, #tpu.memory_space<semaphore_mem>>)
    %dma_start3A_22 = arith.constant 1 : i32
    %dma_start3A_23 = arith.constant 256 : i32
    %dma_start3A_24 = tpu.memref_slice %arg5[%dma_start3A_22, %dma_start3A_23] : memref<32x512xf32, #tpu.memory_space<vmem>> -> memref<1x256xf32, #tpu.memory_space<vmem>>
    %dma_start3A_25 = arith.constant 0 : i32
    %dma_start3A_26 = tpu.memref_slice %arg2[%add3A, %dma_start3A_25] : memref<50x256xf32, #tpu.memory_space<hbm>> -> memref<1x256xf32, #tpu.memory_space<hbm>>
    %dma_start3A_27 = arith.constant 1 : i32
    %dma_start3A_28 = arith.constant 256 : i32
    %dma_start3A_29 = tpu.memref_slice %arg5[%dma_start3A_27, %dma_start3A_28] : memref<32x512xf32, #tpu.memory_space<vmem>> -> memref<1x256xf32, #tpu.memory_space<vmem>>
    %dma_start3A_30 = arith.constant 0 : i32
    %dma_start3A_31 = tpu.memref_slice %arg2[%add3A, %dma_start3A_30] : memref<50x256xf32, #tpu.memory_space<hbm>> -> memref<1x256xf32, #tpu.memory_space<hbm>>
    tpu.enqueue_dma source(%dma_start3A_31 : memref<1x256xf32, #tpu.memory_space<hbm>>) target(%dma_start3A_29 : memref<1x256xf32, #tpu.memory_space<vmem>>) target_semaphore(%arg6 : memref<!tpu.dma_semaphore, #tpu.memory_space<semaphore_mem>>)
    %dma_start3A_32 = arith.constant 2 : i32
    %dma_start3A_33 = arith.constant 256 : i32
    %dma_start3A_34 = tpu.memref_slice %arg5[%dma_start3A_32, %dma_start3A_33] : memref<32x512xf32, #tpu.memory_space<vmem>> -> memref<1x256xf32, #tpu.memory_space<vmem>>
    %dma_start3A_35 = arith.constant 0 : i32
    %dma_start3A_36 = tpu.memref_slice %arg2[%add3A, %dma_start3A_35] : memref<50x256xf32, #tpu.memory_space<hbm>> -> memref<1x256xf32, #tpu.memory_space<hbm>>
    %dma_start3A_37 = arith.constant 2 : i32
    %dma_start3A_38 = arith.constant 256 : i32
    %dma_start3A_39 = tpu.memref_slice %arg5[%dma_start3A_37, %dma_start3A_38] : memref<32x512xf32, #tpu.memory_space<vmem>> -> memref<1x256xf32, #tpu.memory_space<vmem>>
    %dma_start3A_40 = arith.constant 0 : i32
    %dma_start3A_41 = tpu.memref_slice %arg2[%add3A, %dma_start3A_40] : memref<50x256xf32, #tpu.memory_space<hbm>> -> memref<1x256xf32, #tpu.memory_space<hbm>>
    tpu.enqueue_dma source(%dma_start3A_41 : memref<1x256xf32, #tpu.memory_space<hbm>>) target(%dma_start3A_39 : memref<1x256xf32, #tpu.memory_space<vmem>>) target_semaphore(%arg6 : memref<!tpu.dma_semaphore, #tpu.memory_space<semaphore_mem>>)
    %dma_start3A_42 = arith.constant 3 : i32
    %dma_start3A_43 = arith.constant 256 : i32
    %dma_start3A_44 = tpu.memref_slice %arg5[%dma_start3A_42, %dma_start3A_43] : memref<32x512xf32, #tpu.memory_space<vmem>> -> memref<1x256xf32, #tpu.memory_space<vmem>>
    %dma_start3A_45 = arith.constant 0 : i32
    %dma_start3A_46 = tpu.memref_slice %arg2[%add3A, %dma_start3A_45] : memref<50x256xf32, #tpu.memory_space<hbm>> -> memref<1x256xf32, #tpu.memory_space<hbm>>
    %dma_start3A_47 = arith.constant 3 : i32
    %dma_start3A_48 = arith.constant 256 : i32
    %dma_start3A_49 = tpu.memref_slice %arg5[%dma_start3A_47, %dma_start3A_48] : memref<32x512xf32, #tpu.memory_space<vmem>> -> memref<1x256xf32, #tpu.memory_space<vmem>>
    %dma_start3A_50 = arith.constant 0 : i32
    %dma_start3A_51 = tpu.memref_slice %arg2[%add3A, %dma_start3A_50] : memref<50x256xf32, #tpu.memory_space<hbm>> -> memref<1x256xf32, #tpu.memory_space<hbm>>
    tpu.enqueue_dma source(%dma_start3A_51 : memref<1x256xf32, #tpu.memory_space<hbm>>) target(%dma_start3A_49 : memref<1x256xf32, #tpu.memory_space<vmem>>) target_semaphore(%arg6 : memref<!tpu.dma_semaphore, #tpu.memory_space<semaphore_mem>>)
    %dma_start3A_52 = arith.constant 4 : i32
    %dma_start3A_53 = arith.constant 256 : i32
    %dma_start3A_54 = tpu.memref_slice %arg5[%dma_start3A_52, %dma_start3A_53] : memref<32x512xf32, #tpu.memory_space<vmem>> -> memref<1x256xf32, #tpu.memory_space<vmem>>
    %dma_start3A_55 = arith.constant 0 : i32
    %dma_start3A_56 = tpu.memref_slice %arg2[%add3A, %dma_start3A_55] : memref<50x256xf32, #tpu.memory_space<hbm>> -> memref<1x256xf32, #tpu.memory_space<hbm>>
    %dma_start3A_57 = arith.constant 4 : i32
    %dma_start3A_58 = arith.constant 256 : i32
    %dma_start3A_59 = tpu.memref_slice %arg5[%dma_start3A_57, %dma_start3A_58] : memref<32x512xf32, #tpu.memory_space<vmem>> -> memref<1x256xf32, #tpu.memory_space<vmem>>
    %dma_start3A_60 = arith.constant 0 : i32
    %dma_start3A_61 = tpu.memref_slice %arg2[%add3A, %dma_start3A_60] : memref<50x256xf32, #tpu.memory_space<hbm>> -> memref<1x256xf32, #tpu.memory_space<hbm>>
    tpu.enqueue_dma source(%dma_start3A_61 : memref<1x256xf32, #tpu.memory_space<hbm>>) target(%dma_start3A_59 : memref<1x256xf32, #tpu.memory_space<vmem>>) target_semaphore(%arg6 : memref<!tpu.dma_semaphore, #tpu.memory_space<semaphore_mem>>)
    %dma_start3A_62 = arith.constant 5 : i32
    %dma_start3A_63 = arith.constant 256 : i32
    %dma_start3A_64 = tpu.memref_slice %arg5[%dma_start3A_62, %dma_start3A_63] : memref<32x512xf32, #tpu.memory_space<vmem>> -> memref<1x256xf32, #tpu.memory_space<vmem>>
    %dma_start3A_65 = arith.constant 0 : i32
    %dma_start3A_66 = tpu.memref_slice %arg2[%add3A, %dma_start3A_65] : memref<50x256xf32, #tpu.memory_space<hbm>> -> memref<1x256xf32, #tpu.memory_space<hbm>>
    %dma_start3A_67 = arith.constant 5 : i32
    %dma_start3A_68 = arith.constant 256 : i32
    %dma_start3A_69 = tpu.memref_slice %arg5[%dma_start3A_67, %dma_start3A_68] : memref<32x512xf32, #tpu.memory_space<vmem>> -> memref<1x256xf32, #tpu.memory_space<vmem>>
    %dma_start3A_70 = arith.constant 0 : i32
    %dma_start3A_71 = tpu.memref_slice %arg2[%add3A, %dma_start3A_70] : memref<50x256xf32, #tpu.memory_space<hbm>> -> memref<1x256xf32, #tpu.memory_space<hbm>>
    tpu.enqueue_dma source(%dma_start3A_71 : memref<1x256xf32, #tpu.memory_space<hbm>>) target(%dma_start3A_69 : memref<1x256xf32, #tpu.memory_space<vmem>>) target_semaphore(%arg6 : memref<!tpu.dma_semaphore, #tpu.memory_space<semaphore_mem>>)
    %dma_start3A_72 = arith.constant 6 : i32
    %dma_start3A_73 = arith.constant 256 : i32
    %dma_start3A_74 = tpu.memref_slice %arg5[%dma_start3A_72, %dma_start3A_73] : memref<32x512xf32, #tpu.memory_space<vmem>> -> memref<1x256xf32, #tpu.memory_space<vmem>>
    %dma_start3A_75 = arith.constant 0 : i32
    %dma_start3A_76 = tpu.memref_slice %arg2[%add3A, %dma_start3A_75] : memref<50x256xf32, #tpu.memory_space<hbm>> -> memref<1x256xf32, #tpu.memory_space<hbm>>
    %dma_start3A_77 = arith.constant 6 : i32
    %dma_start3A_78 = arith.constant 256 : i32
    %dma_start3A_79 = tpu.memref_slice %arg5[%dma_start3A_77, %dma_start3A_78] : memref<32x512xf32, #tpu.memory_space<vmem>> -> memref<1x256xf32, #tpu.memory_space<vmem>>
    %dma_start3A_80 = arith.constant 0 : i32
    %dma_start3A_81 = tpu.memref_slice %arg2[%add3A, %dma_start3A_80] : memref<50x256xf32, #tpu.memory_space<hbm>> -> memref<1x256xf32, #tpu.memory_space<hbm>>
    tpu.enqueue_dma source(%dma_start3A_81 : memref<1x256xf32, #tpu.memory_space<hbm>>) target(%dma_start3A_79 : memref<1x256xf32, #tpu.memory_space<vmem>>) target_semaphore(%arg6 : memref<!tpu.dma_semaphore, #tpu.memory_space<semaphore_mem>>)
    %dma_start3A_82 = arith.constant 7 : i32
    %dma_start3A_83 = arith.constant 256 : i32
    %dma_start3A_84 = tpu.memref_slice %arg5[%dma_start3A_82, %dma_start3A_83] : memref<32x512xf32, #tpu.memory_space<vmem>> -> memref<1x256xf32, #tpu.memory_space<vmem>>
    %dma_start3A_85 = arith.constant 0 : i32
    %dma_start3A_86 = tpu.memref_slice %arg2[%add3A, %dma_start3A_85] : memref<50x256xf32, #tpu.memory_space<hbm>> -> memref<1x256xf32, #tpu.memory_space<hbm>>
    %dma_start3A_87 = arith.constant 7 : i32
    %dma_start3A_88 = arith.constant 256 : i32
    %dma_start3A_89 = tpu.memref_slice %arg5[%dma_start3A_87, %dma_start3A_88] : memref<32x512xf32, #tpu.memory_space<vmem>> -> memref<1x256xf32, #tpu.memory_space<vmem>>
    %dma_start3A_90 = arith.constant 0 : i32
    %dma_start3A_91 = tpu.memref_slice %arg2[%add3A, %dma_start3A_90] : memref<50x256xf32, #tpu.memory_space<hbm>> -> memref<1x256xf32, #tpu.memory_space<hbm>>
    tpu.enqueue_dma source(%dma_start3A_91 : memref<1x256xf32, #tpu.memory_space<hbm>>) target(%dma_start3A_89 : memref<1x256xf32, #tpu.memory_space<vmem>>) target_semaphore(%arg6 : memref<!tpu.dma_semaphore, #tpu.memory_space<semaphore_mem>>)
    %dma_start3A_92 = arith.constant 8 : i32
    %dma_start3A_93 = arith.constant 256 : i32
    %dma_start3A_94 = tpu.memref_slice %arg5[%dma_start3A_92, %dma_start3A_93] : memref<32x512xf32, #tpu.memory_space<vmem>> -> memref<1x256xf32, #tpu.memory_space<vmem>>
    %dma_start3A_95 = arith.constant 0 : i32
    %dma_start3A_96 = tpu.memref_slice %arg2[%add3A, %dma_start3A_95] : memref<50x256xf32, #tpu.memory_space<hbm>> -> memref<1x256xf32, #tpu.memory_space<hbm>>
    %dma_start3A_97 = arith.constant 8 : i32
    %dma_start3A_98 = arith.constant 256 : i32
    %dma_start3A_99 = tpu.memref_slice %arg5[%dma_start3A_97, %dma_start3A_98] : memref<32x512xf32, #tpu.memory_space<vmem>> -> memref<1x256xf32, #tpu.memory_space<vmem>>
    %dma_start3A_100 = arith.constant 0 : i32
    %dma_start3A_101 = tpu.memref_slice %arg2[%add3A, %dma_start3A_100] : memref<50x256xf32, #tpu.memory_space<hbm>> -> memref<1x256xf32, #tpu.memory_space<hbm>>
    tpu.enqueue_dma source(%dma_start3A_101 : memref<1x256xf32, #tpu.memory_space<hbm>>) target(%dma_start3A_99 : memref<1x256xf32, #tpu.memory_space<vmem>>) target_semaphore(%arg6 : memref<!tpu.dma_semaphore, #tpu.memory_space<semaphore_mem>>)
    %dma_start3A_102 = arith.constant 9 : i32
    %dma_start3A_103 = arith.constant 256 : i32
    %dma_start3A_104 = tpu.memref_slice %arg5[%dma_start3A_102, %dma_start3A_103] : memref<32x512xf32, #tpu.memory_space<vmem>> -> memref<1x256xf32, #tpu.memory_space<vmem>>
    %dma_start3A_105 = arith.constant 0 : i32
    %dma_start3A_106 = tpu.memref_slice %arg2[%add3A, %dma_start3A_105] : memref<50x256xf32, #tpu.memory_space<hbm>> -> memref<1x256xf32, #tpu.memory_space<hbm>>
    %dma_start3A_107 = arith.constant 9 : i32
    %dma_start3A_108 = arith.constant 256 : i32
    %dma_start3A_109 = tpu.memref_slice %arg5[%dma_start3A_107, %dma_start3A_108] : memref<32x512xf32, #tpu.memory_space<vmem>> -> memref<1x256xf32, #tpu.memory_space<vmem>>
    %dma_start3A_110 = arith.constant 0 : i32
    %dma_start3A_111 = tpu.memref_slice %arg2[%add3A, %dma_start3A_110] : memref<50x256xf32, #tpu.memory_space<hbm>> -> memref<1x256xf32, #tpu.memory_space<hbm>>
    tpu.enqueue_dma source(%dma_start3A_111 : memref<1x256xf32, #tpu.memory_space<hbm>>) target(%dma_start3A_109 : memref<1x256xf32, #tpu.memory_space<vmem>>) target_semaphore(%arg6 : memref<!tpu.dma_semaphore, #tpu.memory_space<semaphore_mem>>)
    %dma_start3A_112 = arith.constant 10 : i32
    %dma_start3A_113 = arith.constant 256 : i32
    %dma_start3A_114 = tpu.memref_slice %arg5[%dma_start3A_112, %dma_start3A_113] : memref<32x512xf32, #tpu.memory_space<vmem>> -> memref<1x256xf32, #tpu.memory_space<vmem>>
    %dma_start3A_115 = arith.constant 0 : i32
    %dma_start3A_116 = tpu.memref_slice %arg2[%add3A, %dma_start3A_115] : memref<50x256xf32, #tpu.memory_space<hbm>> -> memref<1x256xf32, #tpu.memory_space<hbm>>
    %dma_start3A_117 = arith.constant 10 : i32
    %dma_start3A_118 = arith.constant 256 : i32
    %dma_start3A_119 = tpu.memref_slice %arg5[%dma_start3A_117, %dma_start3A_118] : memref<32x512xf32, #tpu.memory_space<vmem>> -> memref<1x256xf32, #tpu.memory_space<vmem>>
    %dma_start3A_120 = arith.constant 0 : i32
    %dma_start3A_121 = tpu.memref_slice %arg2[%add3A, %dma_start3A_120] : memref<50x256xf32, #tpu.memory_space<hbm>> -> memref<1x256xf32, #tpu.memory_space<hbm>>
    tpu.enqueue_dma source(%dma_start3A_121 : memref<1x256xf32, #tpu.memory_space<hbm>>) target(%dma_start3A_119 : memref<1x256xf32, #tpu.memory_space<vmem>>) target_semaphore(%arg6 : memref<!tpu.dma_semaphore, #tpu.memory_space<semaphore_mem>>)
    %dma_start3A_122 = arith.constant 11 : i32
    %dma_start3A_123 = arith.constant 256 : i32
    %dma_start3A_124 = tpu.memref_slice %arg5[%dma_start3A_122, %dma_start3A_123] : memref<32x512xf32, #tpu.memory_space<vmem>> -> memref<1x256xf32, #tpu.memory_space<vmem>>
    %dma_start3A_125 = arith.constant 0 : i32
    %dma_start3A_126 = tpu.memref_slice %arg2[%add3A, %dma_start3A_125] : memref<50x256xf32, #tpu.memory_space<hbm>> -> memref<1x256xf32, #tpu.memory_space<hbm>>
    %dma_start3A_127 = arith.constant 11 : i32
    %dma_start3A_128 = arith.constant 256 : i32
    %dma_start3A_129 = tpu.memref_slice %arg5[%dma_start3A_127, %dma_start3A_128] : memref<32x512xf32, #tpu.memory_space<vmem>> -> memref<1x256xf32, #tpu.memory_space<vmem>>
    %dma_start3A_130 = arith.constant 0 : i32
    %dma_start3A_131 = tpu.memref_slice %arg2[%add3A, %dma_start3A_130] : memref<50x256xf32, #tpu.memory_space<hbm>> -> memref<1x256xf32, #tpu.memory_space<hbm>>
    tpu.enqueue_dma source(%dma_start3A_131 : memref<1x256xf32, #tpu.memory_space<hbm>>) target(%dma_start3A_129 : memref<1x256xf32, #tpu.memory_space<vmem>>) target_semaphore(%arg6 : memref<!tpu.dma_semaphore, #tpu.memory_space<semaphore_mem>>)
    %dma_start3A_132 = arith.constant 12 : i32
    %dma_start3A_133 = arith.constant 256 : i32
    %dma_start3A_134 = tpu.memref_slice %arg5[%dma_start3A_132, %dma_start3A_133] : memref<32x512xf32, #tpu.memory_space<vmem>> -> memref<1x256xf32, #tpu.memory_space<vmem>>
    %dma_start3A_135 = arith.constant 0 : i32
    %dma_start3A_136 = tpu.memref_slice %arg2[%add3A, %dma_start3A_135] : memref<50x256xf32, #tpu.memory_space<hbm>> -> memref<1x256xf32, #tpu.memory_space<hbm>>
    %dma_start3A_137 = arith.constant 12 : i32
    %dma_start3A_138 = arith.constant 256 : i32
    %dma_start3A_139 = tpu.memref_slice %arg5[%dma_start3A_137, %dma_start3A_138] : memref<32x512xf32, #tpu.memory_space<vmem>> -> memref<1x256xf32, #tpu.memory_space<vmem>>
    %dma_start3A_140 = arith.constant 0 : i32
    %dma_start3A_141 = tpu.memref_slice %arg2[%add3A, %dma_start3A_140] : memref<50x256xf32, #tpu.memory_space<hbm>> -> memref<1x256xf32, #tpu.memory_space<hbm>>
    tpu.enqueue_dma source(%dma_start3A_141 : memref<1x256xf32, #tpu.memory_space<hbm>>) target(%dma_start3A_139 : memref<1x256xf32, #tpu.memory_space<vmem>>) target_semaphore(%arg6 : memref<!tpu.dma_semaphore, #tpu.memory_space<semaphore_mem>>)
    %dma_start3A_142 = arith.constant 13 : i32
    %dma_start3A_143 = arith.constant 256 : i32
    %dma_start3A_144 = tpu.memref_slice %arg5[%dma_start3A_142, %dma_start3A_143] : memref<32x512xf32, #tpu.memory_space<vmem>> -> memref<1x256xf32, #tpu.memory_space<vmem>>
    %dma_start3A_145 = arith.constant 0 : i32
    %dma_start3A_146 = tpu.memref_slice %arg2[%add3A, %dma_start3A_145] : memref<50x256xf32, #tpu.memory_space<hbm>> -> memref<1x256xf32, #tpu.memory_space<hbm>>
    %dma_start3A_147 = arith.constant 13 : i32
    %dma_start3A_148 = arith.constant 256 : i32
    %dma_start3A_149 = tpu.memref_slice %arg5[%dma_start3A_147, %dma_start3A_148] : memref<32x512xf32, #tpu.memory_space<vmem>> -> memref<1x256xf32, #tpu.memory_space<vmem>>
    %dma_start3A_150 = arith.constant 0 : i32
    %dma_start3A_151 = tpu.memref_slice %arg2[%add3A, %dma_start3A_150] : memref<50x256xf32, #tpu.memory_space<hbm>> -> memref<1x256xf32, #tpu.memory_space<hbm>>
    tpu.enqueue_dma source(%dma_start3A_151 : memref<1x256xf32, #tpu.memory_space<hbm>>) target(%dma_start3A_149 : memref<1x256xf32, #tpu.memory_space<vmem>>) target_semaphore(%arg6 : memref<!tpu.dma_semaphore, #tpu.memory_space<semaphore_mem>>)
    %dma_start3A_152 = arith.constant 14 : i32
    %dma_start3A_153 = arith.constant 256 : i32
    %dma_start3A_154 = tpu.memref_slice %arg5[%dma_start3A_152, %dma_start3A_153] : memref<32x512xf32, #tpu.memory_space<vmem>> -> memref<1x256xf32, #tpu.memory_space<vmem>>
    %dma_start3A_155 = arith.constant 0 : i32
    %dma_start3A_156 = tpu.memref_slice %arg2[%add3A, %dma_start3A_155] : memref<50x256xf32, #tpu.memory_space<hbm>> -> memref<1x256xf32, #tpu.memory_space<hbm>>
    %dma_start3A_157 = arith.constant 14 : i32
    %dma_start3A_158 = arith.constant 256 : i32
    %dma_start3A_159 = tpu.memref_slice %arg5[%dma_start3A_157, %dma_start3A_158] : memref<32x512xf32, #tpu.memory_space<vmem>> -> memref<1x256xf32, #tpu.memory_space<vmem>>
    %dma_start3A_160 = arith.constant 0 : i32
    %dma_start3A_161 = tpu.memref_slice %arg2[%add3A, %dma_start3A_160] : memref<50x256xf32, #tpu.memory_space<hbm>> -> memref<1x256xf32, #tpu.memory_space<hbm>>
    tpu.enqueue_dma source(%dma_start3A_161 : memref<1x256xf32, #tpu.memory_space<hbm>>) target(%dma_start3A_159 : memref<1x256xf32, #tpu.memory_space<vmem>>) target_semaphore(%arg6 : memref<!tpu.dma_semaphore, #tpu.memory_space<semaphore_mem>>)
    %dma_start3A_162 = arith.constant 15 : i32
    %dma_start3A_163 = arith.constant 256 : i32
    %dma_start3A_164 = tpu.memref_slice %arg5[%dma_start3A_162, %dma_start3A_163] : memref<32x512xf32, #tpu.memory_space<vmem>> -> memref<1x256xf32, #tpu.memory_space<vmem>>
    %dma_start3A_165 = arith.constant 0 : i32
    %dma_start3A_166 = tpu.memref_slice %arg2[%add3A, %dma_start3A_165] : memref<50x256xf32, #tpu.memory_space<hbm>> -> memref<1x256xf32, #tpu.memory_space<hbm>>
    %dma_start3A_167 = arith.constant 15 : i32
    %dma_start3A_168 = arith.constant 256 : i32
    %dma_start3A_169 = tpu.memref_slice %arg5[%dma_start3A_167, %dma_start3A_168] : memref<32x512xf32, #tpu.memory_space<vmem>> -> memref<1x256xf32, #tpu.memory_space<vmem>>
    %dma_start3A_170 = arith.constant 0 : i32
    %dma_start3A_171 = tpu.memref_slice %arg2[%add3A, %dma_start3A_170] : memref<50x256xf32, #tpu.memory_space<hbm>> -> memref<1x256xf32, #tpu.memory_space<hbm>>
    tpu.enqueue_dma source(%dma_start3A_171 : memref<1x256xf32, #tpu.memory_space<hbm>>) target(%dma_start3A_169 : memref<1x256xf32, #tpu.memory_space<vmem>>) target_semaphore(%arg6 : memref<!tpu.dma_semaphore, #tpu.memory_space<semaphore_mem>>)
    %dma_start3A_172 = arith.constant 16 : i32
    %dma_start3A_173 = arith.constant 256 : i32
    %dma_start3A_174 = tpu.memref_slice %arg5[%dma_start3A_172, %dma_start3A_173] : memref<32x512xf32, #tpu.memory_space<vmem>> -> memref<1x256xf32, #tpu.memory_space<vmem>>
    %dma_start3A_175 = arith.constant 0 : i32
    %dma_start3A_176 = tpu.memref_slice %arg2[%add3A, %dma_start3A_175] : memref<50x256xf32, #tpu.memory_space<hbm>> -> memref<1x256xf32, #tpu.memory_space<hbm>>
    %dma_start3A_177 = arith.constant 16 : i32
    %dma_start3A_178 = arith.constant 256 : i32
    %dma_start3A_179 = tpu.memref_slice %arg5[%dma_start3A_177, %dma_start3A_178] : memref<32x512xf32, #tpu.memory_space<vmem>> -> memref<1x256xf32, #tpu.memory_space<vmem>>
    %dma_start3A_180 = arith.constant 0 : i32
    %dma_start3A_181 = tpu.memref_slice %arg2[%add3A, %dma_start3A_180] : memref<50x256xf32, #tpu.memory_space<hbm>> -> memref<1x256xf32, #tpu.memory_space<hbm>>
    tpu.enqueue_dma source(%dma_start3A_181 : memref<1x256xf32, #tpu.memory_space<hbm>>) target(%dma_start3A_179 : memref<1x256xf32, #tpu.memory_space<vmem>>) target_semaphore(%arg6 : memref<!tpu.dma_semaphore, #tpu.memory_space<semaphore_mem>>)
    %dma_start3A_182 = arith.constant 17 : i32
    %dma_start3A_183 = arith.constant 256 : i32
    %dma_start3A_184 = tpu.memref_slice %arg5[%dma_start3A_182, %dma_start3A_183] : memref<32x512xf32, #tpu.memory_space<vmem>> -> memref<1x256xf32, #tpu.memory_space<vmem>>
    %dma_start3A_185 = arith.constant 0 : i32
    %dma_start3A_186 = tpu.memref_slice %arg2[%add3A, %dma_start3A_185] : memref<50x256xf32, #tpu.memory_space<hbm>> -> memref<1x256xf32, #tpu.memory_space<hbm>>
    %dma_start3A_187 = arith.constant 17 : i32
    %dma_start3A_188 = arith.constant 256 : i32
    %dma_start3A_189 = tpu.memref_slice %arg5[%dma_start3A_187, %dma_start3A_188] : memref<32x512xf32, #tpu.memory_space<vmem>> -> memref<1x256xf32, #tpu.memory_space<vmem>>
    %dma_start3A_190 = arith.constant 0 : i32
    %dma_start3A_191 = tpu.memref_slice %arg2[%add3A, %dma_start3A_190] : memref<50x256xf32, #tpu.memory_space<hbm>> -> memref<1x256xf32, #tpu.memory_space<hbm>>
    tpu.enqueue_dma source(%dma_start3A_191 : memref<1x256xf32, #tpu.memory_space<hbm>>) target(%dma_start3A_189 : memref<1x256xf32, #tpu.memory_space<vmem>>) target_semaphore(%arg6 : memref<!tpu.dma_semaphore, #tpu.memory_space<semaphore_mem>>)
    %dma_start3A_192 = arith.constant 18 : i32
    %dma_start3A_193 = arith.constant 256 : i32
    %dma_start3A_194 = tpu.memref_slice %arg5[%dma_start3A_192, %dma_start3A_193] : memref<32x512xf32, #tpu.memory_space<vmem>> -> memref<1x256xf32, #tpu.memory_space<vmem>>
    %dma_start3A_195 = arith.constant 0 : i32
    %dma_start3A_196 = tpu.memref_slice %arg2[%add3A, %dma_start3A_195] : memref<50x256xf32, #tpu.memory_space<hbm>> -> memref<1x256xf32, #tpu.memory_space<hbm>>
    %dma_start3A_197 = arith.constant 18 : i32
    %dma_start3A_198 = arith.constant 256 : i32
    %dma_start3A_199 = tpu.memref_slice %arg5[%dma_start3A_197, %dma_start3A_198] : memref<32x512xf32, #tpu.memory_space<vmem>> -> memref<1x256xf32, #tpu.memory_space<vmem>>
    %dma_start3A_200 = arith.constant 0 : i32
    %dma_start3A_201 = tpu.memref_slice %arg2[%add3A, %dma_start3A_200] : memref<50x256xf32, #tpu.memory_space<hbm>> -> memref<1x256xf32, #tpu.memory_space<hbm>>
    tpu.enqueue_dma source(%dma_start3A_201 : memref<1x256xf32, #tpu.memory_space<hbm>>) target(%dma_start3A_199 : memref<1x256xf32, #tpu.memory_space<vmem>>) target_semaphore(%arg6 : memref<!tpu.dma_semaphore, #tpu.memory_space<semaphore_mem>>)
    %dma_start3A_202 = arith.constant 19 : i32
    %dma_start3A_203 = arith.constant 256 : i32
    %dma_start3A_204 = tpu.memref_slice %arg5[%dma_start3A_202, %dma_start3A_203] : memref<32x512xf32, #tpu.memory_space<vmem>> -> memref<1x256xf32, #tpu.memory_space<vmem>>
    %dma_start3A_205 = arith.constant 0 : i32
    %dma_start3A_206 = tpu.memref_slice %arg2[%add3A, %dma_start3A_205] : memref<50x256xf32, #tpu.memory_space<hbm>> -> memref<1x256xf32, #tpu.memory_space<hbm>>
    %dma_start3A_207 = arith.constant 19 : i32
    %dma_start3A_208 = arith.constant 256 : i32
    %dma_start3A_209 = tpu.memref_slice %arg5[%dma_start3A_207, %dma_start3A_208] : memref<32x512xf32, #tpu.memory_space<vmem>> -> memref<1x256xf32, #tpu.memory_space<vmem>>
    %dma_start3A_210 = arith.constant 0 : i32
    %dma_start3A_211 = tpu.memref_slice %arg2[%add3A, %dma_start3A_210] : memref<50x256xf32, #tpu.memory_space<hbm>> -> memref<1x256xf32, #tpu.memory_space<hbm>>
    tpu.enqueue_dma source(%dma_start3A_211 : memref<1x256xf32, #tpu.memory_space<hbm>>) target(%dma_start3A_209 : memref<1x256xf32, #tpu.memory_space<vmem>>) target_semaphore(%arg6 : memref<!tpu.dma_semaphore, #tpu.memory_space<semaphore_mem>>)
    %dma_start3A_212 = arith.constant 20 : i32
    %dma_start3A_213 = arith.constant 256 : i32
    %dma_start3A_214 = tpu.memref_slice %arg5[%dma_start3A_212, %dma_start3A_213] : memref<32x512xf32, #tpu.memory_space<vmem>> -> memref<1x256xf32, #tpu.memory_space<vmem>>
    %dma_start3A_215 = arith.constant 0 : i32
    %dma_start3A_216 = tpu.memref_slice %arg2[%add3A, %dma_start3A_215] : memref<50x256xf32, #tpu.memory_space<hbm>> -> memref<1x256xf32, #tpu.memory_space<hbm>>
    %dma_start3A_217 = arith.constant 20 : i32
    %dma_start3A_218 = arith.constant 256 : i32
    %dma_start3A_219 = tpu.memref_slice %arg5[%dma_start3A_217, %dma_start3A_218] : memref<32x512xf32, #tpu.memory_space<vmem>> -> memref<1x256xf32, #tpu.memory_space<vmem>>
    %dma_start3A_220 = arith.constant 0 : i32
    %dma_start3A_221 = tpu.memref_slice %arg2[%add3A, %dma_start3A_220] : memref<50x256xf32, #tpu.memory_space<hbm>> -> memref<1x256xf32, #tpu.memory_space<hbm>>
    tpu.enqueue_dma source(%dma_start3A_221 : memref<1x256xf32, #tpu.memory_space<hbm>>) target(%dma_start3A_219 : memref<1x256xf32, #tpu.memory_space<vmem>>) target_semaphore(%arg6 : memref<!tpu.dma_semaphore, #tpu.memory_space<semaphore_mem>>)
    %dma_start3A_222 = arith.constant 21 : i32
    %dma_start3A_223 = arith.constant 256 : i32
    %dma_start3A_224 = tpu.memref_slice %arg5[%dma_start3A_222, %dma_start3A_223] : memref<32x512xf32, #tpu.memory_space<vmem>> -> memref<1x256xf32, #tpu.memory_space<vmem>>
    %dma_start3A_225 = arith.constant 0 : i32
    %dma_start3A_226 = tpu.memref_slice %arg2[%add3A, %dma_start3A_225] : memref<50x256xf32, #tpu.memory_space<hbm>> -> memref<1x256xf32, #tpu.memory_space<hbm>>
    %dma_start3A_227 = arith.constant 21 : i32
    %dma_start3A_228 = arith.constant 256 : i32
    %dma_start3A_229 = tpu.memref_slice %arg5[%dma_start3A_227, %dma_start3A_228] : memref<32x512xf32, #tpu.memory_space<vmem>> -> memref<1x256xf32, #tpu.memory_space<vmem>>
    %dma_start3A_230 = arith.constant 0 : i32
    %dma_start3A_231 = tpu.memref_slice %arg2[%add3A, %dma_start3A_230] : memref<50x256xf32, #tpu.memory_space<hbm>> -> memref<1x256xf32, #tpu.memory_space<hbm>>
    tpu.enqueue_dma source(%dma_start3A_231 : memref<1x256xf32, #tpu.memory_space<hbm>>) target(%dma_start3A_229 : memref<1x256xf32, #tpu.memory_space<vmem>>) target_semaphore(%arg6 : memref<!tpu.dma_semaphore, #tpu.memory_space<semaphore_mem>>)
    %dma_start3A_232 = arith.constant 22 : i32
    %dma_start3A_233 = arith.constant 256 : i32
    %dma_start3A_234 = tpu.memref_slice %arg5[%dma_start3A_232, %dma_start3A_233] : memref<32x512xf32, #tpu.memory_space<vmem>> -> memref<1x256xf32, #tpu.memory_space<vmem>>
    %dma_start3A_235 = arith.constant 0 : i32
    %dma_start3A_236 = tpu.memref_slice %arg2[%add3A, %dma_start3A_235] : memref<50x256xf32, #tpu.memory_space<hbm>> -> memref<1x256xf32, #tpu.memory_space<hbm>>
    %dma_start3A_237 = arith.constant 22 : i32
    %dma_start3A_238 = arith.constant 256 : i32
    %dma_start3A_239 = tpu.memref_slice %arg5[%dma_start3A_237, %dma_start3A_238] : memref<32x512xf32, #tpu.memory_space<vmem>> -> memref<1x256xf32, #tpu.memory_space<vmem>>
    %dma_start3A_240 = arith.constant 0 : i32
    %dma_start3A_241 = tpu.memref_slice %arg2[%add3A, %dma_start3A_240] : memref<50x256xf32, #tpu.memory_space<hbm>> -> memref<1x256xf32, #tpu.memory_space<hbm>>
    tpu.enqueue_dma source(%dma_start3A_241 : memref<1x256xf32, #tpu.memory_space<hbm>>) target(%dma_start3A_239 : memref<1x256xf32, #tpu.memory_space<vmem>>) target_semaphore(%arg6 : memref<!tpu.dma_semaphore, #tpu.memory_space<semaphore_mem>>)
    %dma_start3A_242 = arith.constant 23 : i32
    %dma_start3A_243 = arith.constant 256 : i32
    %dma_start3A_244 = tpu.memref_slice %arg5[%dma_start3A_242, %dma_start3A_243] : memref<32x512xf32, #tpu.memory_space<vmem>> -> memref<1x256xf32, #tpu.memory_space<vmem>>
    %dma_start3A_245 = arith.constant 0 : i32
    %dma_start3A_246 = tpu.memref_slice %arg2[%add3A, %dma_start3A_245] : memref<50x256xf32, #tpu.memory_space<hbm>> -> memref<1x256xf32, #tpu.memory_space<hbm>>
    %dma_start3A_247 = arith.constant 23 : i32
    %dma_start3A_248 = arith.constant 256 : i32
    %dma_start3A_249 = tpu.memref_slice %arg5[%dma_start3A_247, %dma_start3A_248] : memref<32x512xf32, #tpu.memory_space<vmem>> -> memref<1x256xf32, #tpu.memory_space<vmem>>
    %dma_start3A_250 = arith.constant 0 : i32
    %dma_start3A_251 = tpu.memref_slice %arg2[%add3A, %dma_start3A_250] : memref<50x256xf32, #tpu.memory_space<hbm>> -> memref<1x256xf32, #tpu.memory_space<hbm>>
    tpu.enqueue_dma source(%dma_start3A_251 : memref<1x256xf32, #tpu.memory_space<hbm>>) target(%dma_start3A_249 : memref<1x256xf32, #tpu.memory_space<vmem>>) target_semaphore(%arg6 : memref<!tpu.dma_semaphore, #tpu.memory_space<semaphore_mem>>)
    %dma_start3A_252 = arith.constant 24 : i32
    %dma_start3A_253 = arith.constant 256 : i32
    %dma_start3A_254 = tpu.memref_slice %arg5[%dma_start3A_252, %dma_start3A_253] : memref<32x512xf32, #tpu.memory_space<vmem>> -> memref<1x256xf32, #tpu.memory_space<vmem>>
    %dma_start3A_255 = arith.constant 0 : i32
    %dma_start3A_256 = tpu.memref_slice %arg2[%add3A, %dma_start3A_255] : memref<50x256xf32, #tpu.memory_space<hbm>> -> memref<1x256xf32, #tpu.memory_space<hbm>>
    %dma_start3A_257 = arith.constant 24 : i32
    %dma_start3A_258 = arith.constant 256 : i32
    %dma_start3A_259 = tpu.memref_slice %arg5[%dma_start3A_257, %dma_start3A_258] : memref<32x512xf32, #tpu.memory_space<vmem>> -> memref<1x256xf32, #tpu.memory_space<vmem>>
    %dma_start3A_260 = arith.constant 0 : i32
    %dma_start3A_261 = tpu.memref_slice %arg2[%add3A, %dma_start3A_260] : memref<50x256xf32, #tpu.memory_space<hbm>> -> memref<1x256xf32, #tpu.memory_space<hbm>>
    tpu.enqueue_dma source(%dma_start3A_261 : memref<1x256xf32, #tpu.memory_space<hbm>>) target(%dma_start3A_259 : memref<1x256xf32, #tpu.memory_space<vmem>>) target_semaphore(%arg6 : memref<!tpu.dma_semaphore, #tpu.memory_space<semaphore_mem>>)
    %dma_start3A_262 = arith.constant 25 : i32
    %dma_start3A_263 = arith.constant 256 : i32
    %dma_start3A_264 = tpu.memref_slice %arg5[%dma_start3A_262, %dma_start3A_263] : memref<32x512xf32, #tpu.memory_space<vmem>> -> memref<1x256xf32, #tpu.memory_space<vmem>>
    %dma_start3A_265 = arith.constant 0 : i32
    %dma_start3A_266 = tpu.memref_slice %arg2[%add3A, %dma_start3A_265] : memref<50x256xf32, #tpu.memory_space<hbm>> -> memref<1x256xf32, #tpu.memory_space<hbm>>
    %dma_start3A_267 = arith.constant 25 : i32
    %dma_start3A_268 = arith.constant 256 : i32
    %dma_start3A_269 = tpu.memref_slice %arg5[%dma_start3A_267, %dma_start3A_268] : memref<32x512xf32, #tpu.memory_space<vmem>> -> memref<1x256xf32, #tpu.memory_space<vmem>>
    %dma_start3A_270 = arith.constant 0 : i32
    %dma_start3A_271 = tpu.memref_slice %arg2[%add3A, %dma_start3A_270] : memref<50x256xf32, #tpu.memory_space<hbm>> -> memref<1x256xf32, #tpu.memory_space<hbm>>
    tpu.enqueue_dma source(%dma_start3A_271 : memref<1x256xf32, #tpu.memory_space<hbm>>) target(%dma_start3A_269 : memref<1x256xf32, #tpu.memory_space<vmem>>) target_semaphore(%arg6 : memref<!tpu.dma_semaphore, #tpu.memory_space<semaphore_mem>>)
    %dma_start3A_272 = arith.constant 26 : i32
    %dma_start3A_273 = arith.constant 256 : i32
    %dma_start3A_274 = tpu.memref_slice %arg5[%dma_start3A_272, %dma_start3A_273] : memref<32x512xf32, #tpu.memory_space<vmem>> -> memref<1x256xf32, #tpu.memory_space<vmem>>
    %dma_start3A_275 = arith.constant 0 : i32
    %dma_start3A_276 = tpu.memref_slice %arg2[%add3A, %dma_start3A_275] : memref<50x256xf32, #tpu.memory_space<hbm>> -> memref<1x256xf32, #tpu.memory_space<hbm>>
    %dma_start3A_277 = arith.constant 26 : i32
    %dma_start3A_278 = arith.constant 256 : i32
    %dma_start3A_279 = tpu.memref_slice %arg5[%dma_start3A_277, %dma_start3A_278] : memref<32x512xf32, #tpu.memory_space<vmem>> -> memref<1x256xf32, #tpu.memory_space<vmem>>
    %dma_start3A_280 = arith.constant 0 : i32
    %dma_start3A_281 = tpu.memref_slice %arg2[%add3A, %dma_start3A_280] : memref<50x256xf32, #tpu.memory_space<hbm>> -> memref<1x256xf32, #tpu.memory_space<hbm>>
    tpu.enqueue_dma source(%dma_start3A_281 : memref<1x256xf32, #tpu.memory_space<hbm>>) target(%dma_start3A_279 : memref<1x256xf32, #tpu.memory_space<vmem>>) target_semaphore(%arg6 : memref<!tpu.dma_semaphore, #tpu.memory_space<semaphore_mem>>)
    %dma_start3A_282 = arith.constant 27 : i32
    %dma_start3A_283 = arith.constant 256 : i32
    %dma_start3A_284 = tpu.memref_slice %arg5[%dma_start3A_282, %dma_start3A_283] : memref<32x512xf32, #tpu.memory_space<vmem>> -> memref<1x256xf32, #tpu.memory_space<vmem>>
    %dma_start3A_285 = arith.constant 0 : i32
    %dma_start3A_286 = tpu.memref_slice %arg2[%add3A, %dma_start3A_285] : memref<50x256xf32, #tpu.memory_space<hbm>> -> memref<1x256xf32, #tpu.memory_space<hbm>>
    %dma_start3A_287 = arith.constant 27 : i32
    %dma_start3A_288 = arith.constant 256 : i32
    %dma_start3A_289 = tpu.memref_slice %arg5[%dma_start3A_287, %dma_start3A_288] : memref<32x512xf32, #tpu.memory_space<vmem>> -> memref<1x256xf32, #tpu.memory_space<vmem>>
    %dma_start3A_290 = arith.constant 0 : i32
    %dma_start3A_291 = tpu.memref_slice %arg2[%add3A, %dma_start3A_290] : memref<50x256xf32, #tpu.memory_space<hbm>> -> memref<1x256xf32, #tpu.memory_space<hbm>>
    tpu.enqueue_dma source(%dma_start3A_291 : memref<1x256xf32, #tpu.memory_space<hbm>>) target(%dma_start3A_289 : memref<1x256xf32, #tpu.memory_space<vmem>>) target_semaphore(%arg6 : memref<!tpu.dma_semaphore, #tpu.memory_space<semaphore_mem>>)
    %dma_start3A_292 = arith.constant 28 : i32
    %dma_start3A_293 = arith.constant 256 : i32
    %dma_start3A_294 = tpu.memref_slice %arg5[%dma_start3A_292, %dma_start3A_293] : memref<32x512xf32, #tpu.memory_space<vmem>> -> memref<1x256xf32, #tpu.memory_space<vmem>>
    %dma_start3A_295 = arith.constant 0 : i32
    %dma_start3A_296 = tpu.memref_slice %arg2[%add3A, %dma_start3A_295] : memref<50x256xf32, #tpu.memory_space<hbm>> -> memref<1x256xf32, #tpu.memory_space<hbm>>
    %dma_start3A_297 = arith.constant 28 : i32
    %dma_start3A_298 = arith.constant 256 : i32
    %dma_start3A_299 = tpu.memref_slice %arg5[%dma_start3A_297, %dma_start3A_298] : memref<32x512xf32, #tpu.memory_space<vmem>> -> memref<1x256xf32, #tpu.memory_space<vmem>>
    %dma_start3A_300 = arith.constant 0 : i32
    %dma_start3A_301 = tpu.memref_slice %arg2[%add3A, %dma_start3A_300] : memref<50x256xf32, #tpu.memory_space<hbm>> -> memref<1x256xf32, #tpu.memory_space<hbm>>
    tpu.enqueue_dma source(%dma_start3A_301 : memref<1x256xf32, #tpu.memory_space<hbm>>) target(%dma_start3A_299 : memref<1x256xf32, #tpu.memory_space<vmem>>) target_semaphore(%arg6 : memref<!tpu.dma_semaphore, #tpu.memory_space<semaphore_mem>>)
    %dma_start3A_302 = arith.constant 29 : i32
    %dma_start3A_303 = arith.constant 256 : i32
    %dma_start3A_304 = tpu.memref_slice %arg5[%dma_start3A_302, %dma_start3A_303] : memref<32x512xf32, #tpu.memory_space<vmem>> -> memref<1x256xf32, #tpu.memory_space<vmem>>
    %dma_start3A_305 = arith.constant 0 : i32
    %dma_start3A_306 = tpu.memref_slice %arg2[%add3A, %dma_start3A_305] : memref<50x256xf32, #tpu.memory_space<hbm>> -> memref<1x256xf32, #tpu.memory_space<hbm>>
    %dma_start3A_307 = arith.constant 29 : i32
    %dma_start3A_308 = arith.constant 256 : i32
    %dma_start3A_309 = tpu.memref_slice %arg5[%dma_start3A_307, %dma_start3A_308] : memref<32x512xf32, #tpu.memory_space<vmem>> -> memref<1x256xf32, #tpu.memory_space<vmem>>
    %dma_start3A_310 = arith.constant 0 : i32
    %dma_start3A_311 = tpu.memref_slice %arg2[%add3A, %dma_start3A_310] : memref<50x256xf32, #tpu.memory_space<hbm>> -> memref<1x256xf32, #tpu.memory_space<hbm>>
    tpu.enqueue_dma source(%dma_start3A_311 : memref<1x256xf32, #tpu.memory_space<hbm>>) target(%dma_start3A_309 : memref<1x256xf32, #tpu.memory_space<vmem>>) target_semaphore(%arg6 : memref<!tpu.dma_semaphore, #tpu.memory_space<semaphore_mem>>)
    %dma_start3A_312 = arith.constant 30 : i32
    %dma_start3A_313 = arith.constant 256 : i32
    %dma_start3A_314 = tpu.memref_slice %arg5[%dma_start3A_312, %dma_start3A_313] : memref<32x512xf32, #tpu.memory_space<vmem>> -> memref<1x256xf32, #tpu.memory_space<vmem>>
    %dma_start3A_315 = arith.constant 0 : i32
    %dma_start3A_316 = tpu.memref_slice %arg2[%add3A, %dma_start3A_315] : memref<50x256xf32, #tpu.memory_space<hbm>> -> memref<1x256xf32, #tpu.memory_space<hbm>>
    %dma_start3A_317 = arith.constant 30 : i32
    %dma_start3A_318 = arith.constant 256 : i32
    %dma_start3A_319 = tpu.memref_slice %arg5[%dma_start3A_317, %dma_start3A_318] : memref<32x512xf32, #tpu.memory_space<vmem>> -> memref<1x256xf32, #tpu.memory_space<vmem>>
    %dma_start3A_320 = arith.constant 0 : i32
    %dma_start3A_321 = tpu.memref_slice %arg2[%add3A, %dma_start3A_320] : memref<50x256xf32, #tpu.memory_space<hbm>> -> memref<1x256xf32, #tpu.memory_space<hbm>>
    tpu.enqueue_dma source(%dma_start3A_321 : memref<1x256xf32, #tpu.memory_space<hbm>>) target(%dma_start3A_319 : memref<1x256xf32, #tpu.memory_space<vmem>>) target_semaphore(%arg6 : memref<!tpu.dma_semaphore, #tpu.memory_space<semaphore_mem>>)
    %dma_start3A_322 = arith.constant 31 : i32
    %dma_start3A_323 = arith.constant 256 : i32
    %dma_start3A_324 = tpu.memref_slice %arg5[%dma_start3A_322, %dma_start3A_323] : memref<32x512xf32, #tpu.memory_space<vmem>> -> memref<1x256xf32, #tpu.memory_space<vmem>>
    %dma_start3A_325 = arith.constant 0 : i32
    %dma_start3A_326 = tpu.memref_slice %arg2[%add3A, %dma_start3A_325] : memref<50x256xf32, #tpu.memory_space<hbm>> -> memref<1x256xf32, #tpu.memory_space<hbm>>
    %dma_start3A_327 = arith.constant 31 : i32
    %dma_start3A_328 = arith.constant 256 : i32
    %dma_start3A_329 = tpu.memref_slice %arg5[%dma_start3A_327, %dma_start3A_328] : memref<32x512xf32, #tpu.memory_space<vmem>> -> memref<1x256xf32, #tpu.memory_space<vmem>>
    %dma_start3A_330 = arith.constant 0 : i32
    %dma_start3A_331 = tpu.memref_slice %arg2[%add3A, %dma_start3A_330] : memref<50x256xf32, #tpu.memory_space<hbm>> -> memref<1x256xf32, #tpu.memory_space<hbm>>
    tpu.enqueue_dma source(%dma_start3A_331 : memref<1x256xf32, #tpu.memory_space<hbm>>) target(%dma_start3A_329 : memref<1x256xf32, #tpu.memory_space<vmem>>) target_semaphore(%arg6 : memref<!tpu.dma_semaphore, #tpu.memory_space<semaphore_mem>>)
    %dma_wait3A = arith.constant 0 : i32
    %dma_wait3A_332 = arith.constant 0 : i32
    %dma_wait3A_333 = tpu.memref_slice %arg5[%dma_wait3A, %dma_wait3A_332] : memref<32x512xf32, #tpu.memory_space<vmem>> -> memref<32x256xf32, #tpu.memory_space<vmem>>
    %dma_wait3A_334 = arith.constant 0 : i32
    %dma_wait3A_335 = arith.constant 0 : i32
    %dma_wait3A_336 = tpu.memref_slice %arg3[%dma_wait3A_334, %dma_wait3A_335] : memref<50x256xf32, #tpu.memory_space<hbm>> -> memref<32x256xf32, #tpu.memory_space<hbm>>
    %dma_wait3A_337 = arith.constant 0 : i32
    %dma_wait3A_338 = arith.constant 0 : i32
    %dma_wait3A_339 = tpu.memref_slice %arg5[%dma_wait3A_337, %dma_wait3A_338] : memref<32x512xf32, #tpu.memory_space<vmem>> -> memref<32x256xf32, #tpu.memory_space<vmem>>
    %dma_wait3A_340 = arith.constant 0 : i32
    %dma_wait3A_341 = arith.constant 0 : i32
    %dma_wait3A_342 = tpu.memref_slice %arg3[%dma_wait3A_340, %dma_wait3A_341] : memref<50x256xf32, #tpu.memory_space<hbm>> -> memref<32x256xf32, #tpu.memory_space<hbm>>
    tpu.wait_dma2 semaphore(%arg6 : memref<!tpu.dma_semaphore, #tpu.memory_space<semaphore_mem>>) src(%dma_wait3A_342 : memref<32x256xf32, #tpu.memory_space<hbm>>) dst(%dma_wait3A_339 : memref<32x256xf32, #tpu.memory_space<vmem>>)
    %dma_wait3A_343 = arith.constant 0 : i32
    %dma_wait3A_344 = arith.constant 256 : i32
    %dma_wait3A_345 = tpu.memref_slice %arg5[%dma_wait3A_343, %dma_wait3A_344] : memref<32x512xf32, #tpu.memory_space<vmem>> -> memref<1x256xf32, #tpu.memory_space<vmem>>
    %dma_wait3A_346 = arith.constant 0 : i32
    %dma_wait3A_347 = tpu.memref_slice %arg2[%add3A, %dma_wait3A_346] : memref<50x256xf32, #tpu.memory_space<hbm>> -> memref<1x256xf32, #tpu.memory_space<hbm>>
    %dma_wait3A_348 = arith.constant 0 : i32
    %dma_wait3A_349 = arith.constant 256 : i32
    %dma_wait3A_350 = tpu.memref_slice %arg5[%dma_wait3A_348, %dma_wait3A_349] : memref<32x512xf32, #tpu.memory_space<vmem>> -> memref<1x256xf32, #tpu.memory_space<vmem>>
    %dma_wait3A_351 = arith.constant 0 : i32
    %dma_wait3A_352 = tpu.memref_slice %arg2[%add3A, %dma_wait3A_351] : memref<50x256xf32, #tpu.memory_space<hbm>> -> memref<1x256xf32, #tpu.memory_space<hbm>>
    tpu.wait_dma2 semaphore(%arg6 : memref<!tpu.dma_semaphore, #tpu.memory_space<semaphore_mem>>) src(%dma_wait3A_352 : memref<1x256xf32, #tpu.memory_space<hbm>>) dst(%dma_wait3A_350 : memref<1x256xf32, #tpu.memory_space<vmem>>)
    %dma_wait3A_353 = arith.constant 1 : i32
    %dma_wait3A_354 = arith.constant 256 : i32
    %dma_wait3A_355 = tpu.memref_slice %arg5[%dma_wait3A_353, %dma_wait3A_354] : memref<32x512xf32, #tpu.memory_space<vmem>> -> memref<1x256xf32, #tpu.memory_space<vmem>>
    %dma_wait3A_356 = arith.constant 0 : i32
    %dma_wait3A_357 = tpu.memref_slice %arg2[%add3A, %dma_wait3A_356] : memref<50x256xf32, #tpu.memory_space<hbm>> -> memref<1x256xf32, #tpu.memory_space<hbm>>
    %dma_wait3A_358 = arith.constant 1 : i32
    %dma_wait3A_359 = arith.constant 256 : i32
    %dma_wait3A_360 = tpu.memref_slice %arg5[%dma_wait3A_358, %dma_wait3A_359] : memref<32x512xf32, #tpu.memory_space<vmem>> -> memref<1x256xf32, #tpu.memory_space<vmem>>
    %dma_wait3A_361 = arith.constant 0 : i32
    %dma_wait3A_362 = tpu.memref_slice %arg2[%add3A, %dma_wait3A_361] : memref<50x256xf32, #tpu.memory_space<hbm>> -> memref<1x256xf32, #tpu.memory_space<hbm>>
    tpu.wait_dma2 semaphore(%arg6 : memref<!tpu.dma_semaphore, #tpu.memory_space<semaphore_mem>>) src(%dma_wait3A_362 : memref<1x256xf32, #tpu.memory_space<hbm>>) dst(%dma_wait3A_360 : memref<1x256xf32, #tpu.memory_space<vmem>>)
    %dma_wait3A_363 = arith.constant 2 : i32
    %dma_wait3A_364 = arith.constant 256 : i32
    %dma_wait3A_365 = tpu.memref_slice %arg5[%dma_wait3A_363, %dma_wait3A_364] : memref<32x512xf32, #tpu.memory_space<vmem>> -> memref<1x256xf32, #tpu.memory_space<vmem>>
    %dma_wait3A_366 = arith.constant 0 : i32
    %dma_wait3A_367 = tpu.memref_slice %arg2[%add3A, %dma_wait3A_366] : memref<50x256xf32, #tpu.memory_space<hbm>> -> memref<1x256xf32, #tpu.memory_space<hbm>>
    %dma_wait3A_368 = arith.constant 2 : i32
    %dma_wait3A_369 = arith.constant 256 : i32
    %dma_wait3A_370 = tpu.memref_slice %arg5[%dma_wait3A_368, %dma_wait3A_369] : memref<32x512xf32, #tpu.memory_space<vmem>> -> memref<1x256xf32, #tpu.memory_space<vmem>>
    %dma_wait3A_371 = arith.constant 0 : i32
    %dma_wait3A_372 = tpu.memref_slice %arg2[%add3A, %dma_wait3A_371] : memref<50x256xf32, #tpu.memory_space<hbm>> -> memref<1x256xf32, #tpu.memory_space<hbm>>
    tpu.wait_dma2 semaphore(%arg6 : memref<!tpu.dma_semaphore, #tpu.memory_space<semaphore_mem>>) src(%dma_wait3A_372 : memref<1x256xf32, #tpu.memory_space<hbm>>) dst(%dma_wait3A_370 : memref<1x256xf32, #tpu.memory_space<vmem>>)
    %dma_wait3A_373 = arith.constant 3 : i32
    %dma_wait3A_374 = arith.constant 256 : i32
    %dma_wait3A_375 = tpu.memref_slice %arg5[%dma_wait3A_373, %dma_wait3A_374] : memref<32x512xf32, #tpu.memory_space<vmem>> -> memref<1x256xf32, #tpu.memory_space<vmem>>
    %dma_wait3A_376 = arith.constant 0 : i32
    %dma_wait3A_377 = tpu.memref_slice %arg2[%add3A, %dma_wait3A_376] : memref<50x256xf32, #tpu.memory_space<hbm>> -> memref<1x256xf32, #tpu.memory_space<hbm>>
    %dma_wait3A_378 = arith.constant 3 : i32
    %dma_wait3A_379 = arith.constant 256 : i32
    %dma_wait3A_380 = tpu.memref_slice %arg5[%dma_wait3A_378, %dma_wait3A_379] : memref<32x512xf32, #tpu.memory_space<vmem>> -> memref<1x256xf32, #tpu.memory_space<vmem>>
    %dma_wait3A_381 = arith.constant 0 : i32
    %dma_wait3A_382 = tpu.memref_slice %arg2[%add3A, %dma_wait3A_381] : memref<50x256xf32, #tpu.memory_space<hbm>> -> memref<1x256xf32, #tpu.memory_space<hbm>>
    tpu.wait_dma2 semaphore(%arg6 : memref<!tpu.dma_semaphore, #tpu.memory_space<semaphore_mem>>) src(%dma_wait3A_382 : memref<1x256xf32, #tpu.memory_space<hbm>>) dst(%dma_wait3A_380 : memref<1x256xf32, #tpu.memory_space<vmem>>)
    %dma_wait3A_383 = arith.constant 4 : i32
    %dma_wait3A_384 = arith.constant 256 : i32
    %dma_wait3A_385 = tpu.memref_slice %arg5[%dma_wait3A_383, %dma_wait3A_384] : memref<32x512xf32, #tpu.memory_space<vmem>> -> memref<1x256xf32, #tpu.memory_space<vmem>>
    %dma_wait3A_386 = arith.constant 0 : i32
    %dma_wait3A_387 = tpu.memref_slice %arg2[%add3A, %dma_wait3A_386] : memref<50x256xf32, #tpu.memory_space<hbm>> -> memref<1x256xf32, #tpu.memory_space<hbm>>
    %dma_wait3A_388 = arith.constant 4 : i32
    %dma_wait3A_389 = arith.constant 256 : i32
    %dma_wait3A_390 = tpu.memref_slice %arg5[%dma_wait3A_388, %dma_wait3A_389] : memref<32x512xf32, #tpu.memory_space<vmem>> -> memref<1x256xf32, #tpu.memory_space<vmem>>
    %dma_wait3A_391 = arith.constant 0 : i32
    %dma_wait3A_392 = tpu.memref_slice %arg2[%add3A, %dma_wait3A_391] : memref<50x256xf32, #tpu.memory_space<hbm>> -> memref<1x256xf32, #tpu.memory_space<hbm>>
    tpu.wait_dma2 semaphore(%arg6 : memref<!tpu.dma_semaphore, #tpu.memory_space<semaphore_mem>>) src(%dma_wait3A_392 : memref<1x256xf32, #tpu.memory_space<hbm>>) dst(%dma_wait3A_390 : memref<1x256xf32, #tpu.memory_space<vmem>>)
    %dma_wait3A_393 = arith.constant 5 : i32
    %dma_wait3A_394 = arith.constant 256 : i32
    %dma_wait3A_395 = tpu.memref_slice %arg5[%dma_wait3A_393, %dma_wait3A_394] : memref<32x512xf32, #tpu.memory_space<vmem>> -> memref<1x256xf32, #tpu.memory_space<vmem>>
    %dma_wait3A_396 = arith.constant 0 : i32
    %dma_wait3A_397 = tpu.memref_slice %arg2[%add3A, %dma_wait3A_396] : memref<50x256xf32, #tpu.memory_space<hbm>> -> memref<1x256xf32, #tpu.memory_space<hbm>>
    %dma_wait3A_398 = arith.constant 5 : i32
    %dma_wait3A_399 = arith.constant 256 : i32
    %dma_wait3A_400 = tpu.memref_slice %arg5[%dma_wait3A_398, %dma_wait3A_399] : memref<32x512xf32, #tpu.memory_space<vmem>> -> memref<1x256xf32, #tpu.memory_space<vmem>>
    %dma_wait3A_401 = arith.constant 0 : i32
    %dma_wait3A_402 = tpu.memref_slice %arg2[%add3A, %dma_wait3A_401] : memref<50x256xf32, #tpu.memory_space<hbm>> -> memref<1x256xf32, #tpu.memory_space<hbm>>
    tpu.wait_dma2 semaphore(%arg6 : memref<!tpu.dma_semaphore, #tpu.memory_space<semaphore_mem>>) src(%dma_wait3A_402 : memref<1x256xf32, #tpu.memory_space<hbm>>) dst(%dma_wait3A_400 : memref<1x256xf32, #tpu.memory_space<vmem>>)
    %dma_wait3A_403 = arith.constant 6 : i32
    %dma_wait3A_404 = arith.constant 256 : i32
    %dma_wait3A_405 = tpu.memref_slice %arg5[%dma_wait3A_403, %dma_wait3A_404] : memref<32x512xf32, #tpu.memory_space<vmem>> -> memref<1x256xf32, #tpu.memory_space<vmem>>
    %dma_wait3A_406 = arith.constant 0 : i32
    %dma_wait3A_407 = tpu.memref_slice %arg2[%add3A, %dma_wait3A_406] : memref<50x256xf32, #tpu.memory_space<hbm>> -> memref<1x256xf32, #tpu.memory_space<hbm>>
    %dma_wait3A_408 = arith.constant 6 : i32
    %dma_wait3A_409 = arith.constant 256 : i32
    %dma_wait3A_410 = tpu.memref_slice %arg5[%dma_wait3A_408, %dma_wait3A_409] : memref<32x512xf32, #tpu.memory_space<vmem>> -> memref<1x256xf32, #tpu.memory_space<vmem>>
    %dma_wait3A_411 = arith.constant 0 : i32
    %dma_wait3A_412 = tpu.memref_slice %arg2[%add3A, %dma_wait3A_411] : memref<50x256xf32, #tpu.memory_space<hbm>> -> memref<1x256xf32, #tpu.memory_space<hbm>>
    tpu.wait_dma2 semaphore(%arg6 : memref<!tpu.dma_semaphore, #tpu.memory_space<semaphore_mem>>) src(%dma_wait3A_412 : memref<1x256xf32, #tpu.memory_space<hbm>>) dst(%dma_wait3A_410 : memref<1x256xf32, #tpu.memory_space<vmem>>)
    %dma_wait3A_413 = arith.constant 7 : i32
    %dma_wait3A_414 = arith.constant 256 : i32
    %dma_wait3A_415 = tpu.memref_slice %arg5[%dma_wait3A_413, %dma_wait3A_414] : memref<32x512xf32, #tpu.memory_space<vmem>> -> memref<1x256xf32, #tpu.memory_space<vmem>>
    %dma_wait3A_416 = arith.constant 0 : i32
    %dma_wait3A_417 = tpu.memref_slice %arg2[%add3A, %dma_wait3A_416] : memref<50x256xf32, #tpu.memory_space<hbm>> -> memref<1x256xf32, #tpu.memory_space<hbm>>
    %dma_wait3A_418 = arith.constant 7 : i32
    %dma_wait3A_419 = arith.constant 256 : i32
    %dma_wait3A_420 = tpu.memref_slice %arg5[%dma_wait3A_418, %dma_wait3A_419] : memref<32x512xf32, #tpu.memory_space<vmem>> -> memref<1x256xf32, #tpu.memory_space<vmem>>
    %dma_wait3A_421 = arith.constant 0 : i32
    %dma_wait3A_422 = tpu.memref_slice %arg2[%add3A, %dma_wait3A_421] : memref<50x256xf32, #tpu.memory_space<hbm>> -> memref<1x256xf32, #tpu.memory_space<hbm>>
    tpu.wait_dma2 semaphore(%arg6 : memref<!tpu.dma_semaphore, #tpu.memory_space<semaphore_mem>>) src(%dma_wait3A_422 : memref<1x256xf32, #tpu.memory_space<hbm>>) dst(%dma_wait3A_420 : memref<1x256xf32, #tpu.memory_space<vmem>>)
    %dma_wait3A_423 = arith.constant 8 : i32
    %dma_wait3A_424 = arith.constant 256 : i32
    %dma_wait3A_425 = tpu.memref_slice %arg5[%dma_wait3A_423, %dma_wait3A_424] : memref<32x512xf32, #tpu.memory_space<vmem>> -> memref<1x256xf32, #tpu.memory_space<vmem>>
    %dma_wait3A_426 = arith.constant 0 : i32
    %dma_wait3A_427 = tpu.memref_slice %arg2[%add3A, %dma_wait3A_426] : memref<50x256xf32, #tpu.memory_space<hbm>> -> memref<1x256xf32, #tpu.memory_space<hbm>>
    %dma_wait3A_428 = arith.constant 8 : i32
    %dma_wait3A_429 = arith.constant 256 : i32
    %dma_wait3A_430 = tpu.memref_slice %arg5[%dma_wait3A_428, %dma_wait3A_429] : memref<32x512xf32, #tpu.memory_space<vmem>> -> memref<1x256xf32, #tpu.memory_space<vmem>>
    %dma_wait3A_431 = arith.constant 0 : i32
    %dma_wait3A_432 = tpu.memref_slice %arg2[%add3A, %dma_wait3A_431] : memref<50x256xf32, #tpu.memory_space<hbm>> -> memref<1x256xf32, #tpu.memory_space<hbm>>
    tpu.wait_dma2 semaphore(%arg6 : memref<!tpu.dma_semaphore, #tpu.memory_space<semaphore_mem>>) src(%dma_wait3A_432 : memref<1x256xf32, #tpu.memory_space<hbm>>) dst(%dma_wait3A_430 : memref<1x256xf32, #tpu.memory_space<vmem>>)
    %dma_wait3A_433 = arith.constant 9 : i32
    %dma_wait3A_434 = arith.constant 256 : i32
    %dma_wait3A_435 = tpu.memref_slice %arg5[%dma_wait3A_433, %dma_wait3A_434] : memref<32x512xf32, #tpu.memory_space<vmem>> -> memref<1x256xf32, #tpu.memory_space<vmem>>
    %dma_wait3A_436 = arith.constant 0 : i32
    %dma_wait3A_437 = tpu.memref_slice %arg2[%add3A, %dma_wait3A_436] : memref<50x256xf32, #tpu.memory_space<hbm>> -> memref<1x256xf32, #tpu.memory_space<hbm>>
    %dma_wait3A_438 = arith.constant 9 : i32
    %dma_wait3A_439 = arith.constant 256 : i32
    %dma_wait3A_440 = tpu.memref_slice %arg5[%dma_wait3A_438, %dma_wait3A_439] : memref<32x512xf32, #tpu.memory_space<vmem>> -> memref<1x256xf32, #tpu.memory_space<vmem>>
    %dma_wait3A_441 = arith.constant 0 : i32
    %dma_wait3A_442 = tpu.memref_slice %arg2[%add3A, %dma_wait3A_441] : memref<50x256xf32, #tpu.memory_space<hbm>> -> memref<1x256xf32, #tpu.memory_space<hbm>>
    tpu.wait_dma2 semaphore(%arg6 : memref<!tpu.dma_semaphore, #tpu.memory_space<semaphore_mem>>) src(%dma_wait3A_442 : memref<1x256xf32, #tpu.memory_space<hbm>>) dst(%dma_wait3A_440 : memref<1x256xf32, #tpu.memory_space<vmem>>)
    %dma_wait3A_443 = arith.constant 10 : i32
    %dma_wait3A_444 = arith.constant 256 : i32
    %dma_wait3A_445 = tpu.memref_slice %arg5[%dma_wait3A_443, %dma_wait3A_444] : memref<32x512xf32, #tpu.memory_space<vmem>> -> memref<1x256xf32, #tpu.memory_space<vmem>>
    %dma_wait3A_446 = arith.constant 0 : i32
    %dma_wait3A_447 = tpu.memref_slice %arg2[%add3A, %dma_wait3A_446] : memref<50x256xf32, #tpu.memory_space<hbm>> -> memref<1x256xf32, #tpu.memory_space<hbm>>
    %dma_wait3A_448 = arith.constant 10 : i32
    %dma_wait3A_449 = arith.constant 256 : i32
    %dma_wait3A_450 = tpu.memref_slice %arg5[%dma_wait3A_448, %dma_wait3A_449] : memref<32x512xf32, #tpu.memory_space<vmem>> -> memref<1x256xf32, #tpu.memory_space<vmem>>
    %dma_wait3A_451 = arith.constant 0 : i32
    %dma_wait3A_452 = tpu.memref_slice %arg2[%add3A, %dma_wait3A_451] : memref<50x256xf32, #tpu.memory_space<hbm>> -> memref<1x256xf32, #tpu.memory_space<hbm>>
    tpu.wait_dma2 semaphore(%arg6 : memref<!tpu.dma_semaphore, #tpu.memory_space<semaphore_mem>>) src(%dma_wait3A_452 : memref<1x256xf32, #tpu.memory_space<hbm>>) dst(%dma_wait3A_450 : memref<1x256xf32, #tpu.memory_space<vmem>>)
    %dma_wait3A_453 = arith.constant 11 : i32
    %dma_wait3A_454 = arith.constant 256 : i32
    %dma_wait3A_455 = tpu.memref_slice %arg5[%dma_wait3A_453, %dma_wait3A_454] : memref<32x512xf32, #tpu.memory_space<vmem>> -> memref<1x256xf32, #tpu.memory_space<vmem>>
    %dma_wait3A_456 = arith.constant 0 : i32
    %dma_wait3A_457 = tpu.memref_slice %arg2[%add3A, %dma_wait3A_456] : memref<50x256xf32, #tpu.memory_space<hbm>> -> memref<1x256xf32, #tpu.memory_space<hbm>>
    %dma_wait3A_458 = arith.constant 11 : i32
    %dma_wait3A_459 = arith.constant 256 : i32
    %dma_wait3A_460 = tpu.memref_slice %arg5[%dma_wait3A_458, %dma_wait3A_459] : memref<32x512xf32, #tpu.memory_space<vmem>> -> memref<1x256xf32, #tpu.memory_space<vmem>>
    %dma_wait3A_461 = arith.constant 0 : i32
    %dma_wait3A_462 = tpu.memref_slice %arg2[%add3A, %dma_wait3A_461] : memref<50x256xf32, #tpu.memory_space<hbm>> -> memref<1x256xf32, #tpu.memory_space<hbm>>
    tpu.wait_dma2 semaphore(%arg6 : memref<!tpu.dma_semaphore, #tpu.memory_space<semaphore_mem>>) src(%dma_wait3A_462 : memref<1x256xf32, #tpu.memory_space<hbm>>) dst(%dma_wait3A_460 : memref<1x256xf32, #tpu.memory_space<vmem>>)
    %dma_wait3A_463 = arith.constant 12 : i32
    %dma_wait3A_464 = arith.constant 256 : i32
    %dma_wait3A_465 = tpu.memref_slice %arg5[%dma_wait3A_463, %dma_wait3A_464] : memref<32x512xf32, #tpu.memory_space<vmem>> -> memref<1x256xf32, #tpu.memory_space<vmem>>
    %dma_wait3A_466 = arith.constant 0 : i32
    %dma_wait3A_467 = tpu.memref_slice %arg2[%add3A, %dma_wait3A_466] : memref<50x256xf32, #tpu.memory_space<hbm>> -> memref<1x256xf32, #tpu.memory_space<hbm>>
    %dma_wait3A_468 = arith.constant 12 : i32
    %dma_wait3A_469 = arith.constant 256 : i32
    %dma_wait3A_470 = tpu.memref_slice %arg5[%dma_wait3A_468, %dma_wait3A_469] : memref<32x512xf32, #tpu.memory_space<vmem>> -> memref<1x256xf32, #tpu.memory_space<vmem>>
    %dma_wait3A_471 = arith.constant 0 : i32
    %dma_wait3A_472 = tpu.memref_slice %arg2[%add3A, %dma_wait3A_471] : memref<50x256xf32, #tpu.memory_space<hbm>> -> memref<1x256xf32, #tpu.memory_space<hbm>>
    tpu.wait_dma2 semaphore(%arg6 : memref<!tpu.dma_semaphore, #tpu.memory_space<semaphore_mem>>) src(%dma_wait3A_472 : memref<1x256xf32, #tpu.memory_space<hbm>>) dst(%dma_wait3A_470 : memref<1x256xf32, #tpu.memory_space<vmem>>)
    %dma_wait3A_473 = arith.constant 13 : i32
    %dma_wait3A_474 = arith.constant 256 : i32
    %dma_wait3A_475 = tpu.memref_slice %arg5[%dma_wait3A_473, %dma_wait3A_474] : memref<32x512xf32, #tpu.memory_space<vmem>> -> memref<1x256xf32, #tpu.memory_space<vmem>>
    %dma_wait3A_476 = arith.constant 0 : i32
    %dma_wait3A_477 = tpu.memref_slice %arg2[%add3A, %dma_wait3A_476] : memref<50x256xf32, #tpu.memory_space<hbm>> -> memref<1x256xf32, #tpu.memory_space<hbm>>
    %dma_wait3A_478 = arith.constant 13 : i32
    %dma_wait3A_479 = arith.constant 256 : i32
    %dma_wait3A_480 = tpu.memref_slice %arg5[%dma_wait3A_478, %dma_wait3A_479] : memref<32x512xf32, #tpu.memory_space<vmem>> -> memref<1x256xf32, #tpu.memory_space<vmem>>
    %dma_wait3A_481 = arith.constant 0 : i32
    %dma_wait3A_482 = tpu.memref_slice %arg2[%add3A, %dma_wait3A_481] : memref<50x256xf32, #tpu.memory_space<hbm>> -> memref<1x256xf32, #tpu.memory_space<hbm>>
    tpu.wait_dma2 semaphore(%arg6 : memref<!tpu.dma_semaphore, #tpu.memory_space<semaphore_mem>>) src(%dma_wait3A_482 : memref<1x256xf32, #tpu.memory_space<hbm>>) dst(%dma_wait3A_480 : memref<1x256xf32, #tpu.memory_space<vmem>>)
    %dma_wait3A_483 = arith.constant 14 : i32
    %dma_wait3A_484 = arith.constant 256 : i32
    %dma_wait3A_485 = tpu.memref_slice %arg5[%dma_wait3A_483, %dma_wait3A_484] : memref<32x512xf32, #tpu.memory_space<vmem>> -> memref<1x256xf32, #tpu.memory_space<vmem>>
    %dma_wait3A_486 = arith.constant 0 : i32
    %dma_wait3A_487 = tpu.memref_slice %arg2[%add3A, %dma_wait3A_486] : memref<50x256xf32, #tpu.memory_space<hbm>> -> memref<1x256xf32, #tpu.memory_space<hbm>>
    %dma_wait3A_488 = arith.constant 14 : i32
    %dma_wait3A_489 = arith.constant 256 : i32
    %dma_wait3A_490 = tpu.memref_slice %arg5[%dma_wait3A_488, %dma_wait3A_489] : memref<32x512xf32, #tpu.memory_space<vmem>> -> memref<1x256xf32, #tpu.memory_space<vmem>>
    %dma_wait3A_491 = arith.constant 0 : i32
    %dma_wait3A_492 = tpu.memref_slice %arg2[%add3A, %dma_wait3A_491] : memref<50x256xf32, #tpu.memory_space<hbm>> -> memref<1x256xf32, #tpu.memory_space<hbm>>
    tpu.wait_dma2 semaphore(%arg6 : memref<!tpu.dma_semaphore, #tpu.memory_space<semaphore_mem>>) src(%dma_wait3A_492 : memref<1x256xf32, #tpu.memory_space<hbm>>) dst(%dma_wait3A_490 : memref<1x256xf32, #tpu.memory_space<vmem>>)
    %dma_wait3A_493 = arith.constant 15 : i32
    %dma_wait3A_494 = arith.constant 256 : i32
    %dma_wait3A_495 = tpu.memref_slice %arg5[%dma_wait3A_493, %dma_wait3A_494] : memref<32x512xf32, #tpu.memory_space<vmem>> -> memref<1x256xf32, #tpu.memory_space<vmem>>
    %dma_wait3A_496 = arith.constant 0 : i32
    %dma_wait3A_497 = tpu.memref_slice %arg2[%add3A, %dma_wait3A_496] : memref<50x256xf32, #tpu.memory_space<hbm>> -> memref<1x256xf32, #tpu.memory_space<hbm>>
    %dma_wait3A_498 = arith.constant 15 : i32
    %dma_wait3A_499 = arith.constant 256 : i32
    %dma_wait3A_500 = tpu.memref_slice %arg5[%dma_wait3A_498, %dma_wait3A_499] : memref<32x512xf32, #tpu.memory_space<vmem>> -> memref<1x256xf32, #tpu.memory_space<vmem>>
    %dma_wait3A_501 = arith.constant 0 : i32
    %dma_wait3A_502 = tpu.memref_slice %arg2[%add3A, %dma_wait3A_501] : memref<50x256xf32, #tpu.memory_space<hbm>> -> memref<1x256xf32, #tpu.memory_space<hbm>>
    tpu.wait_dma2 semaphore(%arg6 : memref<!tpu.dma_semaphore, #tpu.memory_space<semaphore_mem>>) src(%dma_wait3A_502 : memref<1x256xf32, #tpu.memory_space<hbm>>) dst(%dma_wait3A_500 : memref<1x256xf32, #tpu.memory_space<vmem>>)
    %dma_wait3A_503 = arith.constant 16 : i32
    %dma_wait3A_504 = arith.constant 256 : i32
    %dma_wait3A_505 = tpu.memref_slice %arg5[%dma_wait3A_503, %dma_wait3A_504] : memref<32x512xf32, #tpu.memory_space<vmem>> -> memref<1x256xf32, #tpu.memory_space<vmem>>
    %dma_wait3A_506 = arith.constant 0 : i32
    %dma_wait3A_507 = tpu.memref_slice %arg2[%add3A, %dma_wait3A_506] : memref<50x256xf32, #tpu.memory_space<hbm>> -> memref<1x256xf32, #tpu.memory_space<hbm>>
    %dma_wait3A_508 = arith.constant 16 : i32
    %dma_wait3A_509 = arith.constant 256 : i32
    %dma_wait3A_510 = tpu.memref_slice %arg5[%dma_wait3A_508, %dma_wait3A_509] : memref<32x512xf32, #tpu.memory_space<vmem>> -> memref<1x256xf32, #tpu.memory_space<vmem>>
    %dma_wait3A_511 = arith.constant 0 : i32
    %dma_wait3A_512 = tpu.memref_slice %arg2[%add3A, %dma_wait3A_511] : memref<50x256xf32, #tpu.memory_space<hbm>> -> memref<1x256xf32, #tpu.memory_space<hbm>>
    tpu.wait_dma2 semaphore(%arg6 : memref<!tpu.dma_semaphore, #tpu.memory_space<semaphore_mem>>) src(%dma_wait3A_512 : memref<1x256xf32, #tpu.memory_space<hbm>>) dst(%dma_wait3A_510 : memref<1x256xf32, #tpu.memory_space<vmem>>)
    %dma_wait3A_513 = arith.constant 17 : i32
    %dma_wait3A_514 = arith.constant 256 : i32
    %dma_wait3A_515 = tpu.memref_slice %arg5[%dma_wait3A_513, %dma_wait3A_514] : memref<32x512xf32, #tpu.memory_space<vmem>> -> memref<1x256xf32, #tpu.memory_space<vmem>>
    %dma_wait3A_516 = arith.constant 0 : i32
    %dma_wait3A_517 = tpu.memref_slice %arg2[%add3A, %dma_wait3A_516] : memref<50x256xf32, #tpu.memory_space<hbm>> -> memref<1x256xf32, #tpu.memory_space<hbm>>
    %dma_wait3A_518 = arith.constant 17 : i32
    %dma_wait3A_519 = arith.constant 256 : i32
    %dma_wait3A_520 = tpu.memref_slice %arg5[%dma_wait3A_518, %dma_wait3A_519] : memref<32x512xf32, #tpu.memory_space<vmem>> -> memref<1x256xf32, #tpu.memory_space<vmem>>
    %dma_wait3A_521 = arith.constant 0 : i32
    %dma_wait3A_522 = tpu.memref_slice %arg2[%add3A, %dma_wait3A_521] : memref<50x256xf32, #tpu.memory_space<hbm>> -> memref<1x256xf32, #tpu.memory_space<hbm>>
    tpu.wait_dma2 semaphore(%arg6 : memref<!tpu.dma_semaphore, #tpu.memory_space<semaphore_mem>>) src(%dma_wait3A_522 : memref<1x256xf32, #tpu.memory_space<hbm>>) dst(%dma_wait3A_520 : memref<1x256xf32, #tpu.memory_space<vmem>>)
    %dma_wait3A_523 = arith.constant 18 : i32
    %dma_wait3A_524 = arith.constant 256 : i32
    %dma_wait3A_525 = tpu.memref_slice %arg5[%dma_wait3A_523, %dma_wait3A_524] : memref<32x512xf32, #tpu.memory_space<vmem>> -> memref<1x256xf32, #tpu.memory_space<vmem>>
    %dma_wait3A_526 = arith.constant 0 : i32
    %dma_wait3A_527 = tpu.memref_slice %arg2[%add3A, %dma_wait3A_526] : memref<50x256xf32, #tpu.memory_space<hbm>> -> memref<1x256xf32, #tpu.memory_space<hbm>>
    %dma_wait3A_528 = arith.constant 18 : i32
    %dma_wait3A_529 = arith.constant 256 : i32
    %dma_wait3A_530 = tpu.memref_slice %arg5[%dma_wait3A_528, %dma_wait3A_529] : memref<32x512xf32, #tpu.memory_space<vmem>> -> memref<1x256xf32, #tpu.memory_space<vmem>>
    %dma_wait3A_531 = arith.constant 0 : i32
    %dma_wait3A_532 = tpu.memref_slice %arg2[%add3A, %dma_wait3A_531] : memref<50x256xf32, #tpu.memory_space<hbm>> -> memref<1x256xf32, #tpu.memory_space<hbm>>
    tpu.wait_dma2 semaphore(%arg6 : memref<!tpu.dma_semaphore, #tpu.memory_space<semaphore_mem>>) src(%dma_wait3A_532 : memref<1x256xf32, #tpu.memory_space<hbm>>) dst(%dma_wait3A_530 : memref<1x256xf32, #tpu.memory_space<vmem>>)
    %dma_wait3A_533 = arith.constant 19 : i32
    %dma_wait3A_534 = arith.constant 256 : i32
    %dma_wait3A_535 = tpu.memref_slice %arg5[%dma_wait3A_533, %dma_wait3A_534] : memref<32x512xf32, #tpu.memory_space<vmem>> -> memref<1x256xf32, #tpu.memory_space<vmem>>
    %dma_wait3A_536 = arith.constant 0 : i32
    %dma_wait3A_537 = tpu.memref_slice %arg2[%add3A, %dma_wait3A_536] : memref<50x256xf32, #tpu.memory_space<hbm>> -> memref<1x256xf32, #tpu.memory_space<hbm>>
    %dma_wait3A_538 = arith.constant 19 : i32
    %dma_wait3A_539 = arith.constant 256 : i32
    %dma_wait3A_540 = tpu.memref_slice %arg5[%dma_wait3A_538, %dma_wait3A_539] : memref<32x512xf32, #tpu.memory_space<vmem>> -> memref<1x256xf32, #tpu.memory_space<vmem>>
    %dma_wait3A_541 = arith.constant 0 : i32
    %dma_wait3A_542 = tpu.memref_slice %arg2[%add3A, %dma_wait3A_541] : memref<50x256xf32, #tpu.memory_space<hbm>> -> memref<1x256xf32, #tpu.memory_space<hbm>>
    tpu.wait_dma2 semaphore(%arg6 : memref<!tpu.dma_semaphore, #tpu.memory_space<semaphore_mem>>) src(%dma_wait3A_542 : memref<1x256xf32, #tpu.memory_space<hbm>>) dst(%dma_wait3A_540 : memref<1x256xf32, #tpu.memory_space<vmem>>)
    %dma_wait3A_543 = arith.constant 20 : i32
    %dma_wait3A_544 = arith.constant 256 : i32
    %dma_wait3A_545 = tpu.memref_slice %arg5[%dma_wait3A_543, %dma_wait3A_544] : memref<32x512xf32, #tpu.memory_space<vmem>> -> memref<1x256xf32, #tpu.memory_space<vmem>>
    %dma_wait3A_546 = arith.constant 0 : i32
    %dma_wait3A_547 = tpu.memref_slice %arg2[%add3A, %dma_wait3A_546] : memref<50x256xf32, #tpu.memory_space<hbm>> -> memref<1x256xf32, #tpu.memory_space<hbm>>
    %dma_wait3A_548 = arith.constant 20 : i32
    %dma_wait3A_549 = arith.constant 256 : i32
    %dma_wait3A_550 = tpu.memref_slice %arg5[%dma_wait3A_548, %dma_wait3A_549] : memref<32x512xf32, #tpu.memory_space<vmem>> -> memref<1x256xf32, #tpu.memory_space<vmem>>
    %dma_wait3A_551 = arith.constant 0 : i32
    %dma_wait3A_552 = tpu.memref_slice %arg2[%add3A, %dma_wait3A_551] : memref<50x256xf32, #tpu.memory_space<hbm>> -> memref<1x256xf32, #tpu.memory_space<hbm>>
    tpu.wait_dma2 semaphore(%arg6 : memref<!tpu.dma_semaphore, #tpu.memory_space<semaphore_mem>>) src(%dma_wait3A_552 : memref<1x256xf32, #tpu.memory_space<hbm>>) dst(%dma_wait3A_550 : memref<1x256xf32, #tpu.memory_space<vmem>>)
    %dma_wait3A_553 = arith.constant 21 : i32
    %dma_wait3A_554 = arith.constant 256 : i32
    %dma_wait3A_555 = tpu.memref_slice %arg5[%dma_wait3A_553, %dma_wait3A_554] : memref<32x512xf32, #tpu.memory_space<vmem>> -> memref<1x256xf32, #tpu.memory_space<vmem>>
    %dma_wait3A_556 = arith.constant 0 : i32
    %dma_wait3A_557 = tpu.memref_slice %arg2[%add3A, %dma_wait3A_556] : memref<50x256xf32, #tpu.memory_space<hbm>> -> memref<1x256xf32, #tpu.memory_space<hbm>>
    %dma_wait3A_558 = arith.constant 21 : i32
    %dma_wait3A_559 = arith.constant 256 : i32
    %dma_wait3A_560 = tpu.memref_slice %arg5[%dma_wait3A_558, %dma_wait3A_559] : memref<32x512xf32, #tpu.memory_space<vmem>> -> memref<1x256xf32, #tpu.memory_space<vmem>>
    %dma_wait3A_561 = arith.constant 0 : i32
    %dma_wait3A_562 = tpu.memref_slice %arg2[%add3A, %dma_wait3A_561] : memref<50x256xf32, #tpu.memory_space<hbm>> -> memref<1x256xf32, #tpu.memory_space<hbm>>
    tpu.wait_dma2 semaphore(%arg6 : memref<!tpu.dma_semaphore, #tpu.memory_space<semaphore_mem>>) src(%dma_wait3A_562 : memref<1x256xf32, #tpu.memory_space<hbm>>) dst(%dma_wait3A_560 : memref<1x256xf32, #tpu.memory_space<vmem>>)
    %dma_wait3A_563 = arith.constant 22 : i32
    %dma_wait3A_564 = arith.constant 256 : i32
    %dma_wait3A_565 = tpu.memref_slice %arg5[%dma_wait3A_563, %dma_wait3A_564] : memref<32x512xf32, #tpu.memory_space<vmem>> -> memref<1x256xf32, #tpu.memory_space<vmem>>
    %dma_wait3A_566 = arith.constant 0 : i32
    %dma_wait3A_567 = tpu.memref_slice %arg2[%add3A, %dma_wait3A_566] : memref<50x256xf32, #tpu.memory_space<hbm>> -> memref<1x256xf32, #tpu.memory_space<hbm>>
    %dma_wait3A_568 = arith.constant 22 : i32
    %dma_wait3A_569 = arith.constant 256 : i32
    %dma_wait3A_570 = tpu.memref_slice %arg5[%dma_wait3A_568, %dma_wait3A_569] : memref<32x512xf32, #tpu.memory_space<vmem>> -> memref<1x256xf32, #tpu.memory_space<vmem>>
    %dma_wait3A_571 = arith.constant 0 : i32
    %dma_wait3A_572 = tpu.memref_slice %arg2[%add3A, %dma_wait3A_571] : memref<50x256xf32, #tpu.memory_space<hbm>> -> memref<1x256xf32, #tpu.memory_space<hbm>>
    tpu.wait_dma2 semaphore(%arg6 : memref<!tpu.dma_semaphore, #tpu.memory_space<semaphore_mem>>) src(%dma_wait3A_572 : memref<1x256xf32, #tpu.memory_space<hbm>>) dst(%dma_wait3A_570 : memref<1x256xf32, #tpu.memory_space<vmem>>)
    %dma_wait3A_573 = arith.constant 23 : i32
    %dma_wait3A_574 = arith.constant 256 : i32
    %dma_wait3A_575 = tpu.memref_slice %arg5[%dma_wait3A_573, %dma_wait3A_574] : memref<32x512xf32, #tpu.memory_space<vmem>> -> memref<1x256xf32, #tpu.memory_space<vmem>>
    %dma_wait3A_576 = arith.constant 0 : i32
    %dma_wait3A_577 = tpu.memref_slice %arg2[%add3A, %dma_wait3A_576] : memref<50x256xf32, #tpu.memory_space<hbm>> -> memref<1x256xf32, #tpu.memory_space<hbm>>
    %dma_wait3A_578 = arith.constant 23 : i32
    %dma_wait3A_579 = arith.constant 256 : i32
    %dma_wait3A_580 = tpu.memref_slice %arg5[%dma_wait3A_578, %dma_wait3A_579] : memref<32x512xf32, #tpu.memory_space<vmem>> -> memref<1x256xf32, #tpu.memory_space<vmem>>
    %dma_wait3A_581 = arith.constant 0 : i32
    %dma_wait3A_582 = tpu.memref_slice %arg2[%add3A, %dma_wait3A_581] : memref<50x256xf32, #tpu.memory_space<hbm>> -> memref<1x256xf32, #tpu.memory_space<hbm>>
    tpu.wait_dma2 semaphore(%arg6 : memref<!tpu.dma_semaphore, #tpu.memory_space<semaphore_mem>>) src(%dma_wait3A_582 : memref<1x256xf32, #tpu.memory_space<hbm>>) dst(%dma_wait3A_580 : memref<1x256xf32, #tpu.memory_space<vmem>>)
    %dma_wait3A_583 = arith.constant 24 : i32
    %dma_wait3A_584 = arith.constant 256 : i32
    %dma_wait3A_585 = tpu.memref_slice %arg5[%dma_wait3A_583, %dma_wait3A_584] : memref<32x512xf32, #tpu.memory_space<vmem>> -> memref<1x256xf32, #tpu.memory_space<vmem>>
    %dma_wait3A_586 = arith.constant 0 : i32
    %dma_wait3A_587 = tpu.memref_slice %arg2[%add3A, %dma_wait3A_586] : memref<50x256xf32, #tpu.memory_space<hbm>> -> memref<1x256xf32, #tpu.memory_space<hbm>>
    %dma_wait3A_588 = arith.constant 24 : i32
    %dma_wait3A_589 = arith.constant 256 : i32
    %dma_wait3A_590 = tpu.memref_slice %arg5[%dma_wait3A_588, %dma_wait3A_589] : memref<32x512xf32, #tpu.memory_space<vmem>> -> memref<1x256xf32, #tpu.memory_space<vmem>>
    %dma_wait3A_591 = arith.constant 0 : i32
    %dma_wait3A_592 = tpu.memref_slice %arg2[%add3A, %dma_wait3A_591] : memref<50x256xf32, #tpu.memory_space<hbm>> -> memref<1x256xf32, #tpu.memory_space<hbm>>
    tpu.wait_dma2 semaphore(%arg6 : memref<!tpu.dma_semaphore, #tpu.memory_space<semaphore_mem>>) src(%dma_wait3A_592 : memref<1x256xf32, #tpu.memory_space<hbm>>) dst(%dma_wait3A_590 : memref<1x256xf32, #tpu.memory_space<vmem>>)
    %dma_wait3A_593 = arith.constant 25 : i32
    %dma_wait3A_594 = arith.constant 256 : i32
    %dma_wait3A_595 = tpu.memref_slice %arg5[%dma_wait3A_593, %dma_wait3A_594] : memref<32x512xf32, #tpu.memory_space<vmem>> -> memref<1x256xf32, #tpu.memory_space<vmem>>
    %dma_wait3A_596 = arith.constant 0 : i32
    %dma_wait3A_597 = tpu.memref_slice %arg2[%add3A, %dma_wait3A_596] : memref<50x256xf32, #tpu.memory_space<hbm>> -> memref<1x256xf32, #tpu.memory_space<hbm>>
    %dma_wait3A_598 = arith.constant 25 : i32
    %dma_wait3A_599 = arith.constant 256 : i32
    %dma_wait3A_600 = tpu.memref_slice %arg5[%dma_wait3A_598, %dma_wait3A_599] : memref<32x512xf32, #tpu.memory_space<vmem>> -> memref<1x256xf32, #tpu.memory_space<vmem>>
    %dma_wait3A_601 = arith.constant 0 : i32
    %dma_wait3A_602 = tpu.memref_slice %arg2[%add3A, %dma_wait3A_601] : memref<50x256xf32, #tpu.memory_space<hbm>> -> memref<1x256xf32, #tpu.memory_space<hbm>>
    tpu.wait_dma2 semaphore(%arg6 : memref<!tpu.dma_semaphore, #tpu.memory_space<semaphore_mem>>) src(%dma_wait3A_602 : memref<1x256xf32, #tpu.memory_space<hbm>>) dst(%dma_wait3A_600 : memref<1x256xf32, #tpu.memory_space<vmem>>)
    %dma_wait3A_603 = arith.constant 26 : i32
    %dma_wait3A_604 = arith.constant 256 : i32
    %dma_wait3A_605 = tpu.memref_slice %arg5[%dma_wait3A_603, %dma_wait3A_604] : memref<32x512xf32, #tpu.memory_space<vmem>> -> memref<1x256xf32, #tpu.memory_space<vmem>>
    %dma_wait3A_606 = arith.constant 0 : i32
    %dma_wait3A_607 = tpu.memref_slice %arg2[%add3A, %dma_wait3A_606] : memref<50x256xf32, #tpu.memory_space<hbm>> -> memref<1x256xf32, #tpu.memory_space<hbm>>
    %dma_wait3A_608 = arith.constant 26 : i32
    %dma_wait3A_609 = arith.constant 256 : i32
    %dma_wait3A_610 = tpu.memref_slice %arg5[%dma_wait3A_608, %dma_wait3A_609] : memref<32x512xf32, #tpu.memory_space<vmem>> -> memref<1x256xf32, #tpu.memory_space<vmem>>
    %dma_wait3A_611 = arith.constant 0 : i32
    %dma_wait3A_612 = tpu.memref_slice %arg2[%add3A, %dma_wait3A_611] : memref<50x256xf32, #tpu.memory_space<hbm>> -> memref<1x256xf32, #tpu.memory_space<hbm>>
    tpu.wait_dma2 semaphore(%arg6 : memref<!tpu.dma_semaphore, #tpu.memory_space<semaphore_mem>>) src(%dma_wait3A_612 : memref<1x256xf32, #tpu.memory_space<hbm>>) dst(%dma_wait3A_610 : memref<1x256xf32, #tpu.memory_space<vmem>>)
    %dma_wait3A_613 = arith.constant 27 : i32
    %dma_wait3A_614 = arith.constant 256 : i32
    %dma_wait3A_615 = tpu.memref_slice %arg5[%dma_wait3A_613, %dma_wait3A_614] : memref<32x512xf32, #tpu.memory_space<vmem>> -> memref<1x256xf32, #tpu.memory_space<vmem>>
    %dma_wait3A_616 = arith.constant 0 : i32
    %dma_wait3A_617 = tpu.memref_slice %arg2[%add3A, %dma_wait3A_616] : memref<50x256xf32, #tpu.memory_space<hbm>> -> memref<1x256xf32, #tpu.memory_space<hbm>>
    %dma_wait3A_618 = arith.constant 27 : i32
    %dma_wait3A_619 = arith.constant 256 : i32
    %dma_wait3A_620 = tpu.memref_slice %arg5[%dma_wait3A_618, %dma_wait3A_619] : memref<32x512xf32, #tpu.memory_space<vmem>> -> memref<1x256xf32, #tpu.memory_space<vmem>>
    %dma_wait3A_621 = arith.constant 0 : i32
    %dma_wait3A_622 = tpu.memref_slice %arg2[%add3A, %dma_wait3A_621] : memref<50x256xf32, #tpu.memory_space<hbm>> -> memref<1x256xf32, #tpu.memory_space<hbm>>
    tpu.wait_dma2 semaphore(%arg6 : memref<!tpu.dma_semaphore, #tpu.memory_space<semaphore_mem>>) src(%dma_wait3A_622 : memref<1x256xf32, #tpu.memory_space<hbm>>) dst(%dma_wait3A_620 : memref<1x256xf32, #tpu.memory_space<vmem>>)
    %dma_wait3A_623 = arith.constant 28 : i32
    %dma_wait3A_624 = arith.constant 256 : i32
    %dma_wait3A_625 = tpu.memref_slice %arg5[%dma_wait3A_623, %dma_wait3A_624] : memref<32x512xf32, #tpu.memory_space<vmem>> -> memref<1x256xf32, #tpu.memory_space<vmem>>
    %dma_wait3A_626 = arith.constant 0 : i32
    %dma_wait3A_627 = tpu.memref_slice %arg2[%add3A, %dma_wait3A_626] : memref<50x256xf32, #tpu.memory_space<hbm>> -> memref<1x256xf32, #tpu.memory_space<hbm>>
    %dma_wait3A_628 = arith.constant 28 : i32
    %dma_wait3A_629 = arith.constant 256 : i32
    %dma_wait3A_630 = tpu.memref_slice %arg5[%dma_wait3A_628, %dma_wait3A_629] : memref<32x512xf32, #tpu.memory_space<vmem>> -> memref<1x256xf32, #tpu.memory_space<vmem>>
    %dma_wait3A_631 = arith.constant 0 : i32
    %dma_wait3A_632 = tpu.memref_slice %arg2[%add3A, %dma_wait3A_631] : memref<50x256xf32, #tpu.memory_space<hbm>> -> memref<1x256xf32, #tpu.memory_space<hbm>>
    tpu.wait_dma2 semaphore(%arg6 : memref<!tpu.dma_semaphore, #tpu.memory_space<semaphore_mem>>) src(%dma_wait3A_632 : memref<1x256xf32, #tpu.memory_space<hbm>>) dst(%dma_wait3A_630 : memref<1x256xf32, #tpu.memory_space<vmem>>)
    %dma_wait3A_633 = arith.constant 29 : i32
    %dma_wait3A_634 = arith.constant 256 : i32
    %dma_wait3A_635 = tpu.memref_slice %arg5[%dma_wait3A_633, %dma_wait3A_634] : memref<32x512xf32, #tpu.memory_space<vmem>> -> memref<1x256xf32, #tpu.memory_space<vmem>>
    %dma_wait3A_636 = arith.constant 0 : i32
    %dma_wait3A_637 = tpu.memref_slice %arg2[%add3A, %dma_wait3A_636] : memref<50x256xf32, #tpu.memory_space<hbm>> -> memref<1x256xf32, #tpu.memory_space<hbm>>
    %dma_wait3A_638 = arith.constant 29 : i32
    %dma_wait3A_639 = arith.constant 256 : i32
    %dma_wait3A_640 = tpu.memref_slice %arg5[%dma_wait3A_638, %dma_wait3A_639] : memref<32x512xf32, #tpu.memory_space<vmem>> -> memref<1x256xf32, #tpu.memory_space<vmem>>
    %dma_wait3A_641 = arith.constant 0 : i32
    %dma_wait3A_642 = tpu.memref_slice %arg2[%add3A, %dma_wait3A_641] : memref<50x256xf32, #tpu.memory_space<hbm>> -> memref<1x256xf32, #tpu.memory_space<hbm>>
    tpu.wait_dma2 semaphore(%arg6 : memref<!tpu.dma_semaphore, #tpu.memory_space<semaphore_mem>>) src(%dma_wait3A_642 : memref<1x256xf32, #tpu.memory_space<hbm>>) dst(%dma_wait3A_640 : memref<1x256xf32, #tpu.memory_space<vmem>>)
    %dma_wait3A_643 = arith.constant 30 : i32
    %dma_wait3A_644 = arith.constant 256 : i32
    %dma_wait3A_645 = tpu.memref_slice %arg5[%dma_wait3A_643, %dma_wait3A_644] : memref<32x512xf32, #tpu.memory_space<vmem>> -> memref<1x256xf32, #tpu.memory_space<vmem>>
    %dma_wait3A_646 = arith.constant 0 : i32
    %dma_wait3A_647 = tpu.memref_slice %arg2[%add3A, %dma_wait3A_646] : memref<50x256xf32, #tpu.memory_space<hbm>> -> memref<1x256xf32, #tpu.memory_space<hbm>>
    %dma_wait3A_648 = arith.constant 30 : i32
    %dma_wait3A_649 = arith.constant 256 : i32
    %dma_wait3A_650 = tpu.memref_slice %arg5[%dma_wait3A_648, %dma_wait3A_649] : memref<32x512xf32, #tpu.memory_space<vmem>> -> memref<1x256xf32, #tpu.memory_space<vmem>>
    %dma_wait3A_651 = arith.constant 0 : i32
    %dma_wait3A_652 = tpu.memref_slice %arg2[%add3A, %dma_wait3A_651] : memref<50x256xf32, #tpu.memory_space<hbm>> -> memref<1x256xf32, #tpu.memory_space<hbm>>
    tpu.wait_dma2 semaphore(%arg6 : memref<!tpu.dma_semaphore, #tpu.memory_space<semaphore_mem>>) src(%dma_wait3A_652 : memref<1x256xf32, #tpu.memory_space<hbm>>) dst(%dma_wait3A_650 : memref<1x256xf32, #tpu.memory_space<vmem>>)
    %dma_wait3A_653 = arith.constant 31 : i32
    %dma_wait3A_654 = arith.constant 256 : i32
    %dma_wait3A_655 = tpu.memref_slice %arg5[%dma_wait3A_653, %dma_wait3A_654] : memref<32x512xf32, #tpu.memory_space<vmem>> -> memref<1x256xf32, #tpu.memory_space<vmem>>
    %dma_wait3A_656 = arith.constant 0 : i32
    %dma_wait3A_657 = tpu.memref_slice %arg2[%add3A, %dma_wait3A_656] : memref<50x256xf32, #tpu.memory_space<hbm>> -> memref<1x256xf32, #tpu.memory_space<hbm>>
    %dma_wait3A_658 = arith.constant 31 : i32
    %dma_wait3A_659 = arith.constant 256 : i32
    %dma_wait3A_660 = tpu.memref_slice %arg5[%dma_wait3A_658, %dma_wait3A_659] : memref<32x512xf32, #tpu.memory_space<vmem>> -> memref<1x256xf32, #tpu.memory_space<vmem>>
    %dma_wait3A_661 = arith.constant 0 : i32
    %dma_wait3A_662 = tpu.memref_slice %arg2[%add3A, %dma_wait3A_661] : memref<50x256xf32, #tpu.memory_space<hbm>> -> memref<1x256xf32, #tpu.memory_space<hbm>>
    tpu.wait_dma2 semaphore(%arg6 : memref<!tpu.dma_semaphore, #tpu.memory_space<semaphore_mem>>) src(%dma_wait3A_662 : memref<1x256xf32, #tpu.memory_space<hbm>>) dst(%dma_wait3A_660 : memref<1x256xf32, #tpu.memory_space<vmem>>)
    %add3A_663 = arith.constant 0 : i32
    %add3A_664 = arith.addi %add3A_663, %add3A : i32
    %mul3A_665 = arith.constant 32 : i32
    %mul3A_666 = arith.muli %add3A_664, %mul3A_665 : i32
    %add3A_667 = arith.constant 32 : i32
    %add3A_668 = arith.addi %add3A_667, %add3A : i32
    %mul3A_669 = arith.constant 32 : i32
    %mul3A_670 = arith.muli %add3A_668, %mul3A_669 : i32
    %dma_start3A_671 = arith.constant 0 : i32
    %dma_start3A_672 = tpu.memref_slice %arg4[%mul3A_666, %dma_start3A_671] : memref<16384x512xf32, #tpu.memory_space<hbm>> -> memref<32x512xf32, #tpu.memory_space<hbm>>
    %dma_start3A_673 = arith.constant 0 : i32
    %dma_start3A_674 = tpu.memref_slice %arg4[%mul3A_666, %dma_start3A_673] : memref<16384x512xf32, #tpu.memory_space<hbm>> -> memref<32x512xf32, #tpu.memory_space<hbm>>
    tpu.enqueue_dma source(%arg5 : memref<32x512xf32, #tpu.memory_space<vmem>>) target(%dma_start3A_674 : memref<32x512xf32, #tpu.memory_space<hbm>>) target_semaphore(%arg7 : memref<!tpu.dma_semaphore, #tpu.memory_space<semaphore_mem>>)
    %dma_start3A_675 = arith.constant 0 : i32
    %dma_start3A_676 = tpu.memref_slice %arg4[%mul3A_670, %dma_start3A_675] : memref<16384x512xf32, #tpu.memory_space<hbm>> -> memref<32x512xf32, #tpu.memory_space<hbm>>
    %dma_start3A_677 = arith.constant 0 : i32
    %dma_start3A_678 = tpu.memref_slice %arg4[%mul3A_670, %dma_start3A_677] : memref<16384x512xf32, #tpu.memory_space<hbm>> -> memref<32x512xf32, #tpu.memory_space<hbm>>
    tpu.enqueue_dma source(%arg5 : memref<32x512xf32, #tpu.memory_space<vmem>>) target(%dma_start3A_678 : memref<32x512xf32, #tpu.memory_space<hbm>>) target_semaphore(%arg7 : memref<!tpu.dma_semaphore, #tpu.memory_space<semaphore_mem>>)
    %dma_wait3A_679 = arith.constant 0 : i32
    %dma_wait3A_680 = tpu.memref_slice %arg4[%mul3A_666, %dma_wait3A_679] : memref<16384x512xf32, #tpu.memory_space<hbm>> -> memref<32x512xf32, #tpu.memory_space<hbm>>
    %dma_wait3A_681 = arith.constant 0 : i32
    %dma_wait3A_682 = tpu.memref_slice %arg4[%mul3A_666, %dma_wait3A_681] : memref<16384x512xf32, #tpu.memory_space<hbm>> -> memref<32x512xf32, #tpu.memory_space<hbm>>
    tpu.wait_dma2 semaphore(%arg7 : memref<!tpu.dma_semaphore, #tpu.memory_space<semaphore_mem>>) src(%arg5 : memref<32x512xf32, #tpu.memory_space<vmem>>) dst(%dma_wait3A_682 : memref<32x512xf32, #tpu.memory_space<hbm>>)
    %dma_wait3A_683 = arith.constant 0 : i32
    %dma_wait3A_684 = tpu.memref_slice %arg4[%mul3A_670, %dma_wait3A_683] : memref<16384x512xf32, #tpu.memory_space<hbm>> -> memref<32x512xf32, #tpu.memory_space<hbm>>
    %dma_wait3A_685 = arith.constant 0 : i32
    %dma_wait3A_686 = tpu.memref_slice %arg4[%mul3A_670, %dma_wait3A_685] : memref<16384x512xf32, #tpu.memory_space<hbm>> -> memref<32x512xf32, #tpu.memory_space<hbm>>
    tpu.wait_dma2 semaphore(%arg7 : memref<!tpu.dma_semaphore, #tpu.memory_space<semaphore_mem>>) src(%arg5 : memref<32x512xf32, #tpu.memory_space<vmem>>) dst(%dma_wait3A_686 : memref<32x512xf32, #tpu.memory_space<hbm>>)
    return
  }
}

module attributes {stable_mosaic.version = 14 : i64} {
  func.func @_tc_body(%arg0: memref<16x32x32x512xf32, #tpu.memory_space<any>>, %arg1: memref<50x256xf32, #tpu.memory_space<vmem>>, %arg2: memref<50x256xf32, #tpu.memory_space<vmem>>, %arg3: memref<16x32x32x512xf32, #tpu.memory_space<any>>, %arg4: memref<1x32x32x512xf32, #tpu.memory_space<vmem>>, %arg5: memref<!tpu.dma_semaphore, #tpu.memory_space<semaphore_mem>>) attributes {dimension_semantics = [], scalar_prefetch = 0 : i64, scratch_operands = 2 : i64, tpu.core_type = #tpu.core_type<tc>} {
    %get3A = arith.constant 0 : index
    %get3A_0 = arith.constant 0 : index
    %get3A_1 = vector.load %arg2[%get3A, %get3A_0] : memref<50x256xf32, #tpu.memory_space<vmem>>, vector<32x256xf32>
    %get3A_2 = arith.constant 0 : index
    %get3A_3 = arith.constant 0 : index
    %get3A_4 = vector.load %arg1[%get3A_2, %get3A_3] : memref<50x256xf32, #tpu.memory_space<vmem>>, vector<32x256xf32>
    %broadcast_in_dim3A = vector.shape_cast %get3A_1 : vector<32x256xf32> to vector<1x1x32x256xf32>
    %broadcast_in_dim3A_5 = vector.shape_cast %broadcast_in_dim3A : vector<1x1x32x256xf32> to vector<1x1x32x256xf32>
    %broadcast_in_dim3A_6 = vector.broadcast %broadcast_in_dim3A_5 : vector<1x1x32x256xf32> to vector<1x32x32x256xf32>
    %broadcast_in_dim3A_7 = vector.shape_cast %get3A_4 : vector<32x256xf32> to vector<1x32x1x256xf32>
    %broadcast_in_dim3A_8 = vector.shape_cast %broadcast_in_dim3A_7 : vector<1x32x1x256xf32> to vector<1x32x1x256xf32>
    %broadcast_in_dim3A_9 = vector.broadcast %broadcast_in_dim3A_8 : vector<1x32x1x256xf32> to vector<1x32x32x256xf32>
    %concatenate3A = tpu.concatenate %broadcast_in_dim3A_6, %broadcast_in_dim3A_9 in 3 : vector<1x32x32x256xf32>, vector<1x32x32x256xf32> -> vector<1x32x32x512xf32>
    %swap3A = arith.constant 0 : index
    %swap3A_10 = arith.constant 0 : index
    %swap3A_11 = arith.constant 0 : index
    %swap3A_12 = arith.constant 0 : index
    %swap3A_13 = vector.load %arg4[%swap3A, %swap3A_10, %swap3A_11, %swap3A_12] : memref<1x32x32x512xf32, #tpu.memory_space<vmem>>, vector<1x32x32x512xf32>
    tpu.vector_store %arg4[%swap3A, %swap3A_10, %swap3A_11, %swap3A_12], %concatenate3A {strides = array<i32>} : memref<1x32x32x512xf32, #tpu.memory_space<vmem>>, vector<1x32x32x512xf32>,
    %dma_start3A = arith.constant 2 : i32
    %dma_start3A_14 = arith.constant 0 : i32
    %dma_start3A_15 = arith.constant 0 : i32
    %dma_start3A_16 = arith.constant 0 : i32
    %dma_start3A_17 = tpu.memref_slice %arg3[%dma_start3A, %dma_start3A_14, %dma_start3A_15, %dma_start3A_16] : memref<16x32x32x512xf32, #tpu.memory_space<any>> -> memref<1x32x32x512xf32, #tpu.memory_space<any>>
    tpu.enqueue_dma source(%arg4 : memref<1x32x32x512xf32, #tpu.memory_space<vmem>>) target(%dma_start3A_17 : memref<1x32x32x512xf32, #tpu.memory_space<any>>) target_semaphore(%arg5 : memref<!tpu.dma_semaphore, #tpu.memory_space<semaphore_mem>>)
    %dma_start3A_18 = arith.constant 3 : i32
    %dma_start3A_19 = arith.constant 0 : i32
    %dma_start3A_20 = arith.constant 0 : i32
    %dma_start3A_21 = arith.constant 0 : i32
    %dma_start3A_22 = tpu.memref_slice %arg3[%dma_start3A_18, %dma_start3A_19, %dma_start3A_20, %dma_start3A_21] : memref<16x32x32x512xf32, #tpu.memory_space<any>> -> memref<1x32x32x512xf32, #tpu.memory_space<any>>
    tpu.enqueue_dma source(%arg4 : memref<1x32x32x512xf32, #tpu.memory_space<vmem>>) target(%dma_start3A_22 : memref<1x32x32x512xf32, #tpu.memory_space<any>>) target_semaphore(%arg5 : memref<!tpu.dma_semaphore, #tpu.memory_space<semaphore_mem>>)
    %dma_start3A_23 = arith.constant 4 : i32
    %dma_start3A_24 = arith.constant 0 : i32
    %dma_start3A_25 = arith.constant 0 : i32
    %dma_start3A_26 = arith.constant 0 : i32
    %dma_start3A_27 = tpu.memref_slice %arg3[%dma_start3A_23, %dma_start3A_24, %dma_start3A_25, %dma_start3A_26] : memref<16x32x32x512xf32, #tpu.memory_space<any>> -> memref<1x32x32x512xf32, #tpu.memory_space<any>>
    tpu.enqueue_dma source(%arg4 : memref<1x32x32x512xf32, #tpu.memory_space<vmem>>) target(%dma_start3A_27 : memref<1x32x32x512xf32, #tpu.memory_space<any>>) target_semaphore(%arg5 : memref<!tpu.dma_semaphore, #tpu.memory_space<semaphore_mem>>)
    %dma_start3A_28 = arith.constant 5 : i32
    %dma_start3A_29 = arith.constant 0 : i32
    %dma_start3A_30 = arith.constant 0 : i32
    %dma_start3A_31 = arith.constant 0 : i32
    %dma_start3A_32 = tpu.memref_slice %arg3[%dma_start3A_28, %dma_start3A_29, %dma_start3A_30, %dma_start3A_31] : memref<16x32x32x512xf32, #tpu.memory_space<any>> -> memref<1x32x32x512xf32, #tpu.memory_space<any>>
    tpu.enqueue_dma source(%arg4 : memref<1x32x32x512xf32, #tpu.memory_space<vmem>>) target(%dma_start3A_32 : memref<1x32x32x512xf32, #tpu.memory_space<any>>) target_semaphore(%arg5 : memref<!tpu.dma_semaphore, #tpu.memory_space<semaphore_mem>>)
    %dma_start3A_33 = arith.constant 6 : i32
    %dma_start3A_34 = arith.constant 0 : i32
    %dma_start3A_35 = arith.constant 0 : i32
    %dma_start3A_36 = arith.constant 0 : i32
    %dma_start3A_37 = tpu.memref_slice %arg3[%dma_start3A_33, %dma_start3A_34, %dma_start3A_35, %dma_start3A_36] : memref<16x32x32x512xf32, #tpu.memory_space<any>> -> memref<1x32x32x512xf32, #tpu.memory_space<any>>
    tpu.enqueue_dma source(%arg4 : memref<1x32x32x512xf32, #tpu.memory_space<vmem>>) target(%dma_start3A_37 : memref<1x32x32x512xf32, #tpu.memory_space<any>>) target_semaphore(%arg5 : memref<!tpu.dma_semaphore, #tpu.memory_space<semaphore_mem>>)
    %dma_start3A_38 = arith.constant 7 : i32
    %dma_start3A_39 = arith.constant 0 : i32
    %dma_start3A_40 = arith.constant 0 : i32
    %dma_start3A_41 = arith.constant 0 : i32
    %dma_start3A_42 = tpu.memref_slice %arg3[%dma_start3A_38, %dma_start3A_39, %dma_start3A_40, %dma_start3A_41] : memref<16x32x32x512xf32, #tpu.memory_space<any>> -> memref<1x32x32x512xf32, #tpu.memory_space<any>>
    tpu.enqueue_dma source(%arg4 : memref<1x32x32x512xf32, #tpu.memory_space<vmem>>) target(%dma_start3A_42 : memref<1x32x32x512xf32, #tpu.memory_space<any>>) target_semaphore(%arg5 : memref<!tpu.dma_semaphore, #tpu.memory_space<semaphore_mem>>)
    %dma_start3A_43 = arith.constant 8 : i32
    %dma_start3A_44 = arith.constant 0 : i32
    %dma_start3A_45 = arith.constant 0 : i32
    %dma_start3A_46 = arith.constant 0 : i32
    %dma_start3A_47 = tpu.memref_slice %arg3[%dma_start3A_43, %dma_start3A_44, %dma_start3A_45, %dma_start3A_46] : memref<16x32x32x512xf32, #tpu.memory_space<any>> -> memref<1x32x32x512xf32, #tpu.memory_space<any>>
    tpu.enqueue_dma source(%arg4 : memref<1x32x32x512xf32, #tpu.memory_space<vmem>>) target(%dma_start3A_47 : memref<1x32x32x512xf32, #tpu.memory_space<any>>) target_semaphore(%arg5 : memref<!tpu.dma_semaphore, #tpu.memory_space<semaphore_mem>>)
    %dma_start3A_48 = arith.constant 9 : i32
    %dma_start3A_49 = arith.constant 0 : i32
    %dma_start3A_50 = arith.constant 0 : i32
    %dma_start3A_51 = arith.constant 0 : i32
    %dma_start3A_52 = tpu.memref_slice %arg3[%dma_start3A_48, %dma_start3A_49, %dma_start3A_50, %dma_start3A_51] : memref<16x32x32x512xf32, #tpu.memory_space<any>> -> memref<1x32x32x512xf32, #tpu.memory_space<any>>
    tpu.enqueue_dma source(%arg4 : memref<1x32x32x512xf32, #tpu.memory_space<vmem>>) target(%dma_start3A_52 : memref<1x32x32x512xf32, #tpu.memory_space<any>>) target_semaphore(%arg5 : memref<!tpu.dma_semaphore, #tpu.memory_space<semaphore_mem>>)
    %dma_start3A_53 = arith.constant 10 : i32
    %dma_start3A_54 = arith.constant 0 : i32
    %dma_start3A_55 = arith.constant 0 : i32
    %dma_start3A_56 = arith.constant 0 : i32
    %dma_start3A_57 = tpu.memref_slice %arg3[%dma_start3A_53, %dma_start3A_54, %dma_start3A_55, %dma_start3A_56] : memref<16x32x32x512xf32, #tpu.memory_space<any>> -> memref<1x32x32x512xf32, #tpu.memory_space<any>>
    tpu.enqueue_dma source(%arg4 : memref<1x32x32x512xf32, #tpu.memory_space<vmem>>) target(%dma_start3A_57 : memref<1x32x32x512xf32, #tpu.memory_space<any>>) target_semaphore(%arg5 : memref<!tpu.dma_semaphore, #tpu.memory_space<semaphore_mem>>)
    %dma_start3A_58 = arith.constant 11 : i32
    %dma_start3A_59 = arith.constant 0 : i32
    %dma_start3A_60 = arith.constant 0 : i32
    %dma_start3A_61 = arith.constant 0 : i32
    %dma_start3A_62 = tpu.memref_slice %arg3[%dma_start3A_58, %dma_start3A_59, %dma_start3A_60, %dma_start3A_61] : memref<16x32x32x512xf32, #tpu.memory_space<any>> -> memref<1x32x32x512xf32, #tpu.memory_space<any>>
    tpu.enqueue_dma source(%arg4 : memref<1x32x32x512xf32, #tpu.memory_space<vmem>>) target(%dma_start3A_62 : memref<1x32x32x512xf32, #tpu.memory_space<any>>) target_semaphore(%arg5 : memref<!tpu.dma_semaphore, #tpu.memory_space<semaphore_mem>>)
    %dma_start3A_63 = arith.constant 12 : i32
    %dma_start3A_64 = arith.constant 0 : i32
    %dma_start3A_65 = arith.constant 0 : i32
    %dma_start3A_66 = arith.constant 0 : i32
    %dma_start3A_67 = tpu.memref_slice %arg3[%dma_start3A_63, %dma_start3A_64, %dma_start3A_65, %dma_start3A_66] : memref<16x32x32x512xf32, #tpu.memory_space<any>> -> memref<1x32x32x512xf32, #tpu.memory_space<any>>
    tpu.enqueue_dma source(%arg4 : memref<1x32x32x512xf32, #tpu.memory_space<vmem>>) target(%dma_start3A_67 : memref<1x32x32x512xf32, #tpu.memory_space<any>>) target_semaphore(%arg5 : memref<!tpu.dma_semaphore, #tpu.memory_space<semaphore_mem>>)
    %dma_start3A_68 = arith.constant 13 : i32
    %dma_start3A_69 = arith.constant 0 : i32
    %dma_start3A_70 = arith.constant 0 : i32
    %dma_start3A_71 = arith.constant 0 : i32
    %dma_start3A_72 = tpu.memref_slice %arg3[%dma_start3A_68, %dma_start3A_69, %dma_start3A_70, %dma_start3A_71] : memref<16x32x32x512xf32, #tpu.memory_space<any>> -> memref<1x32x32x512xf32, #tpu.memory_space<any>>
    tpu.enqueue_dma source(%arg4 : memref<1x32x32x512xf32, #tpu.memory_space<vmem>>) target(%dma_start3A_72 : memref<1x32x32x512xf32, #tpu.memory_space<any>>) target_semaphore(%arg5 : memref<!tpu.dma_semaphore, #tpu.memory_space<semaphore_mem>>)
    %dma_start3A_73 = arith.constant 14 : i32
    %dma_start3A_74 = arith.constant 0 : i32
    %dma_start3A_75 = arith.constant 0 : i32
    %dma_start3A_76 = arith.constant 0 : i32
    %dma_start3A_77 = tpu.memref_slice %arg3[%dma_start3A_73, %dma_start3A_74, %dma_start3A_75, %dma_start3A_76] : memref<16x32x32x512xf32, #tpu.memory_space<any>> -> memref<1x32x32x512xf32, #tpu.memory_space<any>>
    tpu.enqueue_dma source(%arg4 : memref<1x32x32x512xf32, #tpu.memory_space<vmem>>) target(%dma_start3A_77 : memref<1x32x32x512xf32, #tpu.memory_space<any>>) target_semaphore(%arg5 : memref<!tpu.dma_semaphore, #tpu.memory_space<semaphore_mem>>)
    %dma_start3A_78 = arith.constant 15 : i32
    %dma_start3A_79 = arith.constant 0 : i32
    %dma_start3A_80 = arith.constant 0 : i32
    %dma_start3A_81 = arith.constant 0 : i32
    %dma_start3A_82 = tpu.memref_slice %arg3[%dma_start3A_78, %dma_start3A_79, %dma_start3A_80, %dma_start3A_81] : memref<16x32x32x512xf32, #tpu.memory_space<any>> -> memref<1x32x32x512xf32, #tpu.memory_space<any>>
    tpu.enqueue_dma source(%arg4 : memref<1x32x32x512xf32, #tpu.memory_space<vmem>>) target(%dma_start3A_82 : memref<1x32x32x512xf32, #tpu.memory_space<any>>) target_semaphore(%arg5 : memref<!tpu.dma_semaphore, #tpu.memory_space<semaphore_mem>>)
    %dma_wait3A = arith.constant 2 : i32
    %dma_wait3A_83 = arith.constant 0 : i32
    %dma_wait3A_84 = arith.constant 0 : i32
    %dma_wait3A_85 = arith.constant 0 : i32
    %dma_wait3A_86 = tpu.memref_slice %arg3[%dma_wait3A, %dma_wait3A_83, %dma_wait3A_84, %dma_wait3A_85] : memref<16x32x32x512xf32, #tpu.memory_space<any>> -> memref<1x32x32x512xf32, #tpu.memory_space<any>>
    tpu.wait_dma2 semaphore(%arg5 : memref<!tpu.dma_semaphore, #tpu.memory_space<semaphore_mem>>) src(%arg4 : memref<1x32x32x512xf32, #tpu.memory_space<vmem>>) dst(%dma_wait3A_86 : memref<1x32x32x512xf32, #tpu.memory_space<any>>)
    %dma_wait3A_87 = arith.constant 3 : i32
    %dma_wait3A_88 = arith.constant 0 : i32
    %dma_wait3A_89 = arith.constant 0 : i32
    %dma_wait3A_90 = arith.constant 0 : i32
    %dma_wait3A_91 = tpu.memref_slice %arg3[%dma_wait3A_87, %dma_wait3A_88, %dma_wait3A_89, %dma_wait3A_90] : memref<16x32x32x512xf32, #tpu.memory_space<any>> -> memref<1x32x32x512xf32, #tpu.memory_space<any>>
    tpu.wait_dma2 semaphore(%arg5 : memref<!tpu.dma_semaphore, #tpu.memory_space<semaphore_mem>>) src(%arg4 : memref<1x32x32x512xf32, #tpu.memory_space<vmem>>) dst(%dma_wait3A_91 : memref<1x32x32x512xf32, #tpu.memory_space<any>>)
    %dma_wait3A_92 = arith.constant 4 : i32
    %dma_wait3A_93 = arith.constant 0 : i32
    %dma_wait3A_94 = arith.constant 0 : i32
    %dma_wait3A_95 = arith.constant 0 : i32
    %dma_wait3A_96 = tpu.memref_slice %arg3[%dma_wait3A_92, %dma_wait3A_93, %dma_wait3A_94, %dma_wait3A_95] : memref<16x32x32x512xf32, #tpu.memory_space<any>> -> memref<1x32x32x512xf32, #tpu.memory_space<any>>
    tpu.wait_dma2 semaphore(%arg5 : memref<!tpu.dma_semaphore, #tpu.memory_space<semaphore_mem>>) src(%arg4 : memref<1x32x32x512xf32, #tpu.memory_space<vmem>>) dst(%dma_wait3A_96 : memref<1x32x32x512xf32, #tpu.memory_space<any>>)
    %dma_wait3A_97 = arith.constant 5 : i32
    %dma_wait3A_98 = arith.constant 0 : i32
    %dma_wait3A_99 = arith.constant 0 : i32
    %dma_wait3A_100 = arith.constant 0 : i32
    %dma_wait3A_101 = tpu.memref_slice %arg3[%dma_wait3A_97, %dma_wait3A_98, %dma_wait3A_99, %dma_wait3A_100] : memref<16x32x32x512xf32, #tpu.memory_space<any>> -> memref<1x32x32x512xf32, #tpu.memory_space<any>>
    tpu.wait_dma2 semaphore(%arg5 : memref<!tpu.dma_semaphore, #tpu.memory_space<semaphore_mem>>) src(%arg4 : memref<1x32x32x512xf32, #tpu.memory_space<vmem>>) dst(%dma_wait3A_101 : memref<1x32x32x512xf32, #tpu.memory_space<any>>)
    %dma_wait3A_102 = arith.constant 6 : i32
    %dma_wait3A_103 = arith.constant 0 : i32
    %dma_wait3A_104 = arith.constant 0 : i32
    %dma_wait3A_105 = arith.constant 0 : i32
    %dma_wait3A_106 = tpu.memref_slice %arg3[%dma_wait3A_102, %dma_wait3A_103, %dma_wait3A_104, %dma_wait3A_105] : memref<16x32x32x512xf32, #tpu.memory_space<any>> -> memref<1x32x32x512xf32, #tpu.memory_space<any>>
    tpu.wait_dma2 semaphore(%arg5 : memref<!tpu.dma_semaphore, #tpu.memory_space<semaphore_mem>>) src(%arg4 : memref<1x32x32x512xf32, #tpu.memory_space<vmem>>) dst(%dma_wait3A_106 : memref<1x32x32x512xf32, #tpu.memory_space<any>>)
    %dma_wait3A_107 = arith.constant 7 : i32
    %dma_wait3A_108 = arith.constant 0 : i32
    %dma_wait3A_109 = arith.constant 0 : i32
    %dma_wait3A_110 = arith.constant 0 : i32
    %dma_wait3A_111 = tpu.memref_slice %arg3[%dma_wait3A_107, %dma_wait3A_108, %dma_wait3A_109, %dma_wait3A_110] : memref<16x32x32x512xf32, #tpu.memory_space<any>> -> memref<1x32x32x512xf32, #tpu.memory_space<any>>
    tpu.wait_dma2 semaphore(%arg5 : memref<!tpu.dma_semaphore, #tpu.memory_space<semaphore_mem>>) src(%arg4 : memref<1x32x32x512xf32, #tpu.memory_space<vmem>>) dst(%dma_wait3A_111 : memref<1x32x32x512xf32, #tpu.memory_space<any>>)
    %dma_wait3A_112 = arith.constant 8 : i32
    %dma_wait3A_113 = arith.constant 0 : i32
    %dma_wait3A_114 = arith.constant 0 : i32
    %dma_wait3A_115 = arith.constant 0 : i32
    %dma_wait3A_116 = tpu.memref_slice %arg3[%dma_wait3A_112, %dma_wait3A_113, %dma_wait3A_114, %dma_wait3A_115] : memref<16x32x32x512xf32, #tpu.memory_space<any>> -> memref<1x32x32x512xf32, #tpu.memory_space<any>>
    tpu.wait_dma2 semaphore(%arg5 : memref<!tpu.dma_semaphore, #tpu.memory_space<semaphore_mem>>) src(%arg4 : memref<1x32x32x512xf32, #tpu.memory_space<vmem>>) dst(%dma_wait3A_116 : memref<1x32x32x512xf32, #tpu.memory_space<any>>)
    %dma_wait3A_117 = arith.constant 9 : i32
    %dma_wait3A_118 = arith.constant 0 : i32
    %dma_wait3A_119 = arith.constant 0 : i32
    %dma_wait3A_120 = arith.constant 0 : i32
    %dma_wait3A_121 = tpu.memref_slice %arg3[%dma_wait3A_117, %dma_wait3A_118, %dma_wait3A_119, %dma_wait3A_120] : memref<16x32x32x512xf32, #tpu.memory_space<any>> -> memref<1x32x32x512xf32, #tpu.memory_space<any>>
    tpu.wait_dma2 semaphore(%arg5 : memref<!tpu.dma_semaphore, #tpu.memory_space<semaphore_mem>>) src(%arg4 : memref<1x32x32x512xf32, #tpu.memory_space<vmem>>) dst(%dma_wait3A_121 : memref<1x32x32x512xf32, #tpu.memory_space<any>>)
    %dma_wait3A_122 = arith.constant 10 : i32
    %dma_wait3A_123 = arith.constant 0 : i32
    %dma_wait3A_124 = arith.constant 0 : i32
    %dma_wait3A_125 = arith.constant 0 : i32
    %dma_wait3A_126 = tpu.memref_slice %arg3[%dma_wait3A_122, %dma_wait3A_123, %dma_wait3A_124, %dma_wait3A_125] : memref<16x32x32x512xf32, #tpu.memory_space<any>> -> memref<1x32x32x512xf32, #tpu.memory_space<any>>
    tpu.wait_dma2 semaphore(%arg5 : memref<!tpu.dma_semaphore, #tpu.memory_space<semaphore_mem>>) src(%arg4 : memref<1x32x32x512xf32, #tpu.memory_space<vmem>>) dst(%dma_wait3A_126 : memref<1x32x32x512xf32, #tpu.memory_space<any>>)
    %dma_wait3A_127 = arith.constant 11 : i32
    %dma_wait3A_128 = arith.constant 0 : i32
    %dma_wait3A_129 = arith.constant 0 : i32
    %dma_wait3A_130 = arith.constant 0 : i32
    %dma_wait3A_131 = tpu.memref_slice %arg3[%dma_wait3A_127, %dma_wait3A_128, %dma_wait3A_129, %dma_wait3A_130] : memref<16x32x32x512xf32, #tpu.memory_space<any>> -> memref<1x32x32x512xf32, #tpu.memory_space<any>>
    tpu.wait_dma2 semaphore(%arg5 : memref<!tpu.dma_semaphore, #tpu.memory_space<semaphore_mem>>) src(%arg4 : memref<1x32x32x512xf32, #tpu.memory_space<vmem>>) dst(%dma_wait3A_131 : memref<1x32x32x512xf32, #tpu.memory_space<any>>)
    %dma_wait3A_132 = arith.constant 12 : i32
    %dma_wait3A_133 = arith.constant 0 : i32
    %dma_wait3A_134 = arith.constant 0 : i32
    %dma_wait3A_135 = arith.constant 0 : i32
    %dma_wait3A_136 = tpu.memref_slice %arg3[%dma_wait3A_132, %dma_wait3A_133, %dma_wait3A_134, %dma_wait3A_135] : memref<16x32x32x512xf32, #tpu.memory_space<any>> -> memref<1x32x32x512xf32, #tpu.memory_space<any>>
    tpu.wait_dma2 semaphore(%arg5 : memref<!tpu.dma_semaphore, #tpu.memory_space<semaphore_mem>>) src(%arg4 : memref<1x32x32x512xf32, #tpu.memory_space<vmem>>) dst(%dma_wait3A_136 : memref<1x32x32x512xf32, #tpu.memory_space<any>>)
    %dma_wait3A_137 = arith.constant 13 : i32
    %dma_wait3A_138 = arith.constant 0 : i32
    %dma_wait3A_139 = arith.constant 0 : i32
    %dma_wait3A_140 = arith.constant 0 : i32
    %dma_wait3A_141 = tpu.memref_slice %arg3[%dma_wait3A_137, %dma_wait3A_138, %dma_wait3A_139, %dma_wait3A_140] : memref<16x32x32x512xf32, #tpu.memory_space<any>> -> memref<1x32x32x512xf32, #tpu.memory_space<any>>
    tpu.wait_dma2 semaphore(%arg5 : memref<!tpu.dma_semaphore, #tpu.memory_space<semaphore_mem>>) src(%arg4 : memref<1x32x32x512xf32, #tpu.memory_space<vmem>>) dst(%dma_wait3A_141 : memref<1x32x32x512xf32, #tpu.memory_space<any>>)
    %dma_wait3A_142 = arith.constant 14 : i32
    %dma_wait3A_143 = arith.constant 0 : i32
    %dma_wait3A_144 = arith.constant 0 : i32
    %dma_wait3A_145 = arith.constant 0 : i32
    %dma_wait3A_146 = tpu.memref_slice %arg3[%dma_wait3A_142, %dma_wait3A_143, %dma_wait3A_144, %dma_wait3A_145] : memref<16x32x32x512xf32, #tpu.memory_space<any>> -> memref<1x32x32x512xf32, #tpu.memory_space<any>>
    tpu.wait_dma2 semaphore(%arg5 : memref<!tpu.dma_semaphore, #tpu.memory_space<semaphore_mem>>) src(%arg4 : memref<1x32x32x512xf32, #tpu.memory_space<vmem>>) dst(%dma_wait3A_146 : memref<1x32x32x512xf32, #tpu.memory_space<any>>)
    %dma_wait3A_147 = arith.constant 15 : i32
    %dma_wait3A_148 = arith.constant 0 : i32
    %dma_wait3A_149 = arith.constant 0 : i32
    %dma_wait3A_150 = arith.constant 0 : i32
    %dma_wait3A_151 = tpu.memref_slice %arg3[%dma_wait3A_147, %dma_wait3A_148, %dma_wait3A_149, %dma_wait3A_150] : memref<16x32x32x512xf32, #tpu.memory_space<any>> -> memref<1x32x32x512xf32, #tpu.memory_space<any>>
    tpu.wait_dma2 semaphore(%arg5 : memref<!tpu.dma_semaphore, #tpu.memory_space<semaphore_mem>>) src(%arg4 : memref<1x32x32x512xf32, #tpu.memory_space<vmem>>) dst(%dma_wait3A_151 : memref<1x32x32x512xf32, #tpu.memory_space<any>>)
    return
  }
}

</mosaic_0001>

<sc_bundles>
// kernel: kernel.4.cloned.1.call-start
scs
__scs_entry_jumppad:
0x0: {  	(pc) =	sbr.rel $0x88, $3  }
0x1: {  	(tag) =	ssettag $0x0;
	lr =	simm.s32 $0x1  }
0x2: {  	[smem:$0x3F9F] =	sst lr;
	_ =	strace $0xD0000000  }
0x3: {  	_ = 	snop  }
0x4: {  	_ = 	snop  }
0x5: {  	_ = 	snop  }
0x6: {  	_ = 	snop  }
0x7: {  	_ = 	snop  }
__scs_overlays_trampoline_lowered:
0x8: {  	[smem:$0x3FAE] =	sst s0  }
0x9: {  	[smem:$0x3FAF] =	sst s1  }
0xa: {  	[smem:$0x3FB0] =	sst s2  }
0xb: {  	[smem:$0x3FB1] =	sst s3  }
0xc: {  	[smem:$0x3FB2] =	sst s4  }
0xd: {  	[smem:$0x3FB3] =	sst s5  }
0xe: {  	[smem:$0x3FB4] =	sst s6  }
0xf: {  	[smem:$0x3FB5] =	sst s7  }
0x10: {  	[smem:$0x3FB6] =	sst s8  }
0x11: {  	[smem:$0x3FB7] =	sst s9;
	s0 =	simm.s32 @!p0 $0x0  }
0x12: {  	s1 =	sld [smem:$0x3F9D];
	s0 =	simm.s32 @p0 $0x1  }
0x13: {  	[smem:$0x3FB8] =	sst s0;
	s0 =	simm.s32 @!p1 $0x0  }
0x14: {  	s2 =	sld [smem:$0x3F9C];
	s0 =	simm.s32 @p1 $0x1  }
0x15: {  	[smem:$0x3FB9] =	sst s0;
	s0 =	simm.s32 @!p2 $0x0  }
0x16: {  	s3 =	sld [smem:$0x3FDB];
	s0 =	simm.s32 @p2 $0x1  }
0x17: {  	s4 =	simm.s32 $0x1BF5;
	[smem:$0x3FBB] =	sst s0  }
0x18: {  	s0 =	sld [smem:$0x3F9E];
	_ =	swait.ge [sflag:s4], $0x0  }
0x19: {  	s7 =	sld [smem:$0x3F9F]  }
0x1a: {  	s8 =	sadd.s32 $0xFFFFE003, lr  }
0x1b: {  	s9 =	sadd.s32 $0xFFFFFEF7, lr;
	s5 =	simm.s32 $0xFFFFFFFF;
	p2 =	slt.u32 s8, $0xFFFFF086  }
0x1c: {  	p1 =	slt.u32 s9, $0xF7A;
	s5 =	simm.s32 @!p2 $0x0  }
0x1d: {  	s5 =	simm.s32 @p1 $0x1;
	p0 =	seq.s32 s7, s2  }
0x1e: {  	s7 =	smul.u32 @!p0 $0xF7A, s2;
	p2 =	seq.s32 @!p0 s5, $0x0  }
0x1f: {  	s9 =	smul.u32 $0xF7A, s1;
	s8 =	simm.s32 @!p0 $0x1BF5;
	p2 =	por !p2, p0  }
0x20: {  	[sflag:s8] =	ssyncset.s32 @!p0 $0xFFFFF086;
	s6 =	sadd.s32 @!p0 s3, s7;
	s7 =	simm.s32 @!p0 $0x108  }
0x21: {  	s3 =	sadd.s32 s3, s9;
	s6 =	sadd.s32 @!p0 $0x88, s6;
	s7 =	simm.s32 @p2 $0x1082  }
0x22: {  	[simem:s7], [sflag:s8] =	dma.local @!p0 [hbm:s6], $0xF7A  }
0x23: {  	s9 =	sor.u32 $0xD0000000, s2;
	s6 =	simm.s32 $0x108;
	_ =	swait.ge @!p0 [sflag:s8], $0x0  }
0x24: {  	s3 =	sadd.s32 $0x88, s3;
	s6 =	simm.s32 @!p1 $0x1082;
	[sflag:s4] =	ssyncset.s32 $0xFFFFF086  }
0x25: {  	[simem:s6], [sflag:s4] =	dma.local [hbm:s3], $0xF7A  }
0x26: {  	[smem:$0x3F9F] =	sst s1;
	(tag) =	ssettag s2;
	_ =	strace s9  }
0x27: {  	s1 =	sld [smem:$0x3FAF]  }
0x28: {  	s2 =	sld [smem:$0x3FB0]  }
0x29: {  	s4 =	sld [smem:$0x3FB2]  }
0x2a: {  	p0 =	seq.s32 s5, $0x0;
	s5 =	sld [smem:$0x3FB3]  }
0x2b: {  	s6 =	sld [smem:$0x3FB4]  }
0x2c: {  	s7 =	sld [smem:$0x3FB5]  }
0x2d: {  	s3 =	simm.s32 $0x108;
	s8 =	sld [smem:$0x3FB6]  }
0x2e: {  	s3 =	simm.s32 @!p0 $0x1082;
	s9 =	sld [smem:$0x3FB7]  }
0x2f: {  	lr =	sadd.s32 s0, s3;
	s0 =	sld [smem:$0x3FAE]  }
0x30: {  	s3 =	sld [smem:$0x3FB1]  }
0x31: {  	[smem:$0x3FBA] =	sst s10  }
0x32: {  	s10 =	sld [smem:$0x3FB8];
	_ =	sdelay $0x3  }
0x33: {  	p0 =	seq.s32 s10, $0x1;
	s10 =	sld [smem:$0x3FBA];
	_ =	sdelay $0x3  }
0x34: {  	[smem:$0x3FBA] =	sst s10  }
0x35: {  	s10 =	sld [smem:$0x3FB9];
	_ =	sdelay $0x3  }
0x36: {  	p1 =	seq.s32 s10, $0x1;
	s10 =	sld [smem:$0x3FBA];
	_ =	sdelay $0x3  }
0x37: {  	[smem:$0x3FBA] =	sst s10  }
0x38: {  	s10 =	sld [smem:$0x3FBB]  }
0x39: {  	_ = 	snop;
	(pc) =	sbr.ind lr, $3  }
0x3a: {  	_ = 	snop  }
0x3b: {  	_ = 	snop  }
0x3c: {  	p2 =	seq.s32 s10, $0x1;
	s10 =	sld [smem:$0x3FBA]  }
0x3d: {  	_ =	shalt  }
0x3e: {  	_ =	shalt  }
0x3f: {  	_ =	shalt  }
0x40: {  	_ =	shalt  }
0x41: {  	_ =	shalt  }
0x42: {  	_ =	shalt  }
0x43: {  	_ =	shalt  }
0x44: {  	_ =	shalt  }
0x45: {  	_ =	shalt  }
0x46: {  	_ =	shalt  }
0x47: {  	_ =	shalt  }
0x48: {  	_ =	shalt  }
0x49: {  	_ =	shalt  }
0x4a: {  	_ =	shalt  }
0x4b: {  	_ =	shalt  }
0x4c: {  	_ =	shalt  }
0x4d: {  	_ =	shalt  }
0x4e: {  	_ =	shalt  }
0x4f: {  	_ =	shalt  }
0x50: {  	_ =	shalt  }
0x51: {  	_ =	shalt  }
0x52: {  	_ =	shalt  }
0x53: {  	_ =	shalt  }
0x54: {  	_ =	shalt  }
0x55: {  	_ =	shalt  }
0x56: {  	_ =	shalt  }
0x57: {  	_ =	shalt  }
0x58: {  	_ =	shalt  }
0x59: {  	_ =	shalt  }
0x5a: {  	_ =	shalt  }
0x5b: {  	_ =	shalt  }
0x5c: {  	_ =	shalt  }
0x5d: {  	_ =	shalt  }
0x5e: {  	_ =	shalt  }
0x5f: {  	_ =	shalt  }
0x60: {  	_ =	shalt  }
0x61: {  	_ =	shalt  }
0x62: {  	_ =	shalt  }
0x63: {  	_ =	shalt  }
0x64: {  	_ =	shalt  }
0x65: {  	_ =	shalt  }
0x66: {  	_ =	shalt  }
0x67: {  	_ =	shalt  }
0x68: {  	_ =	shalt  }
0x69: {  	_ =	shalt  }
0x6a: {  	_ =	shalt  }
0x6b: {  	_ =	shalt  }
0x6c: {  	_ =	shalt  }
0x6d: {  	_ =	shalt  }
0x6e: {  	_ =	shalt  }
0x6f: {  	_ =	shalt  }
0x70: {  	_ =	shalt  }
0x71: {  	_ =	shalt  }
0x72: {  	_ =	shalt  }
0x73: {  	_ =	shalt  }
0x74: {  	_ =	shalt  }
0x75: {  	_ =	shalt  }
0x76: {  	_ =	shalt  }
0x77: {  	_ =	shalt  }
0x78: {  	_ =	shalt  }
0x79: {  	_ =	shalt  }
0x7a: {  	_ =	shalt  }
0x7b: {  	_ =	shalt  }
0x7c: {  	_ =	shalt  }
0x7d: {  	_ =	shalt  }
0x7e: {  	_ =	shalt  }
0x7f: {  	_ =	shalt  }
0x80: {  	_ =	shalt  }
0x81: {  	_ =	shalt  }
0x82: {  	_ =	shalt  }
0x83: {  	_ =	shalt  }
0x84: {  	_ =	shalt  }
0x85: {  	_ =	shalt  }
0x86: {  	_ =	shalt  }
0x87: {  	_ =	shalt  }
.Lfunc_end0:
.L_simem_size_0:
called_computation_lowered:
.L_overlay_start_0:
0x88: {  	s2 =	sld [smem:$0x3FD9]  }
0x89: {  	s3 =	sld [smem:$0x3FFE];
	_ =	sdelay $0x1  }
0x8a: {  	s1 =	srdreg.scid  }
0x8b: {  	s0 =	sand.u32 $0x1, s1  }
0x8c: {  	s18 =	sshll.u32 s0, $0xA;
	s2 =	sadd.s32 s3, s2  }
0x8d: {  	s2 =	sadd.s32 s2, s18  }
0x8e: {  	[smem:$0x3FC6] =	sst s2  }
0x8f: {  	_ = 	snop  }
0x90: {  	s2 =	sld [smem:$0x3FC9]  }
0x91: {  	s19 =	sld [smem:$0x3FC8]  }
0x92: {  	s4 =	sld [smem:$0x3FD0];
	(tm) =	ssettm $0x1  }
0x93: {  	s5 =	sld [smem:$0x3FFB];
	_ =	sdelay $0x3  }
0x94: {  	_ =	strace s5  }
0x95: {  	s5 =	sld [smem:$0x3FFC];
	_ =	sdelay $0x3  }
0x96: {  	_ =	strace s5  }
0x97: {  	s5 =	sld [smem:$0x3FFD];
	_ =	sdelay $0x3  }
0x98: {  	_ =	strace s5  }
0x99: {  	_ =	strace $0x8FFFFFFF  }
0x9a: {  	s20 =	sld [smem:$0x3FDB];
	_ =	sdelay $0x1  }
0x9b: {  	s6 =	simm.s32 $_scs_section_size  }
0x9c: {  	s7 =	simm.s32 $_size__tile_overlayer_lowered;
	s8 =	simm.s32 $_tile_overlayer_lowered  }
0x9d: {  	s23 =	simm.s32 $0x1BFF;
	s22 =	sshll.u32 s8, $0x1;
	s5 =	sadd.s32 s6, s20  }
0x9e: {  	s9 =	simm.s32 $0x0;
	s21 =	sshll.u32 s7, $0x1;
	s7 =	sadd.s32 s22, s5  }
0x9f: {  	[timem:s9], [sflag:s23] =	dma.local [hbm:s7], s21  }
0xa0: {  	_ =	swait.ge [sflag:s23], s21  }
0xa1: {  	s6 =	ssub.s32 $0x0, s21;
	[sflag:s23] =	ssyncset.done $0x0  }
0xa2: {  	[sflag:s23] =	ssyncadd.s32 s6;
	_ =	sdelay $0x1  }
0xa3: {  	s24 =	simm.s32 $0x1B8B  }
0xa4: {  	_ =	swait.ge [sflag:s24], $0x1  }
0xa5: {  	[sflag:s24] =	ssyncset.done $0x0  }
0xa6: {  	s25 =	simm.s32 $0x1B8E;
	[sflag:s24] =	ssyncadd.s32 $0xFFFFFFFF  }
0xa7: {  	s26 =	simm.s32 $execute0_lowered;
	[smem:$0x3FD2] =	sst s25  }
0xa8: {  	s6 =	sshll.u32 s26, $0x1;
	_ =	strace $0x80000046;
	[dreg:$0x1] =	wrdreg $0xFFFFFFFF  }
0xa9: {  	s28 =	simm.s32 $_size_execute0_lowered;
	s5 =	sadd.s32 s5, s6;
	[dreg:$0x0] =	wrdreg $0x0  }
0xaa: {  	s6 =	sshll.u32 s28, $0x1;
	[dreg:$0x2] =	wrdreg s5  }
0xab: {  	[dreg:$0x3] =	wrdreg s6  }
0xac: {  	[dreg:$0x4] =	wrdreg $0xC0  }
0xad: {  	_ =	task [dreg:s9], $0x5FFFF  }
0xae: {  	[dreg:$0x1] =	wrdreg $0xFFFFFFFF  }
0xaf: {  	[dreg:$0x0] =	wrdreg $0x60  }
0xb0: {  	[dreg:$0x2] =	wrdreg s2  }
0xb1: {  	[dreg:$0x3] =	wrdreg s19  }
0xb2: {  	[dreg:$0x4] =	wrdreg s4  }
0xb3: {  	[dreg:$0x5] =	wrdreg $0x9  }
0xb4: {  	_ =	task.clear_ibuf [dreg:s9], $0x6FFFF;
	_ =	strace $0x90000046  }
0xb5: {  	s29 =	simm.s32 $0x9;
	_ =	strace $0x80000048  }
0xb6: {  	_ =	swait.ge [sflag:s29], $0x1  }
0xb7: {  	[sflag:s29] =	ssyncadd.s32 $0xFFFFFFFF  }
0xb8: {  	_ =	strace $0x90000048  }
0xb9: {  	_ =	sfence  }
0xba: {  	s30 =	sld [smem:$0x0];
	_ =	sdelay $0x2  }
0xbb: {  	s31 =	sshll.u32 s1, $0xD;
	s1 =	sshrl.u32 s1, $0x2  }
0xbc: {  	s3 =	sand.u32 $0x4000, s31;
	s1 =	sadd.s32 s1, s30  }
0xbd: {  	s0 =	sor.u32 s3, s0;
	s1 =	sshll.u32 s1, $0x11  }
0xbe: {  	s0 =	sor.u32 s1, s0  }
0xbf: {  	s0 =	sadd.s32 $0x8F2B, s0  }
0xc0: {  	[sflag:s0] =	ssyncadd.remote.s32 $0x1  }
0xc1: {  	_ =	sfence.sel $0xFFFF  }
0xc2: {  	[dreg:$0x0] =	wrdreg $0xFFFFFFFF;
	(pc) =	sbr.abs _section_cstart, $3  }
0xc3: {  	[dreg:$0x1] =	wrdreg $0xFFFFFFFF  }
0xc4: {  	_ =	task.clear_ibuf [dreg:s9], $0x2FFFF;
	_ =	strace $0x9FFFFFFF  }
0xc5: {  	(tm) =	ssettm $0x7FFFFFFF  }
tec
execute0_lowered:
.L_overlay_start_1:
0x0: {  	(tag) =	ssettag $0x1  }
0x1: {  	s4 =	rddreg [dreg:$0x0]  }
0x2: {  	s1 =	rddreg [dreg:$0x1]  }
0x3: {  	s28 =	rddreg [dreg:$0x2];
	s2 =	simm.s32 $0x0  }
0x4: {  	[smem:$0x7FF] =	sst s2;
	s0 =	sadd.s32 $0x100, s1  }
0x5: {  	s18 =	sadd.s32 $0x200, s1;
	_ =	strace $0x80000047;
	[dreg:$0x5] =	wrdreg s0  }
0x6: {  	s19 =	sadd.s32 $0x300, s1;
	[dreg:$0x6] =	wrdreg s18  }
0x7: {  	s20 =	simm.s32 $0x1000;
	[dreg:$0x7] =	wrdreg s19  }
0x8: {  	s21 =	simm.s32 $0x2000;
	[dreg:$0x8] =	wrdreg s20  }
0x9: {  	s22 =	simm.s32 $0x3000;
	[dreg:$0x9] =	wrdreg s21  }
0xa: {  	s23 =	simm.s32 $0x800;
	[dreg:$0xa] =	wrdreg s22  }
0xb: {  	s24 =	simm.s32 $0xC00;
	[dreg:$0xb] =	wrdreg s23  }
0xc: {  	s25 =	simm.s32 $0x880;
	[dreg:$0xc] =	wrdreg s24  }
0xd: {  	s26 =	simm.s32 $0xC80;
	[dreg:$0xd] =	wrdreg s25  }
0xe: {  	s3 =	simm.s32 $0x900;
	[dreg:$0xe] =	wrdreg s26  }
0xf: {  	s5 =	simm.s32 $0xD00;
	[dreg:$0xf] =	wrdreg s3  }
0x10: {  	s6 =	simm.s32 $0x980;
	[dreg:$0x10] =	wrdreg s5  }
0x11: {  	s7 =	simm.s32 $0xD80;
	[dreg:$0x11] =	wrdreg s6  }
0x12: {  	s8 =	simm.s32 $0xA00;
	[dreg:$0x12] =	wrdreg s7  }
0x13: {  	s9 =	simm.s32 $0xE00;
	[dreg:$0x13] =	wrdreg s8  }
0x14: {  	s10 =	simm.s32 $0xA80;
	[dreg:$0x14] =	wrdreg s9  }
0x15: {  	s11 =	simm.s32 $0xE80;
	[dreg:$0x15] =	wrdreg s10  }
0x16: {  	s12 =	simm.s32 $0xB00;
	[dreg:$0x16] =	wrdreg s11  }
0x17: {  	s13 =	simm.s32 $0xF00;
	[dreg:$0x17] =	wrdreg s12  }
0x18: {  	s14 =	simm.s32 $0xB80;
	[dreg:$0x18] =	wrdreg s13  }
0x19: {  	s15 =	simm.s32 $0xF80;
	[dreg:$0x19] =	wrdreg s14  }
0x1a: {  	s16 =	simm.s32 $0x1800;
	[dreg:$0x1a] =	wrdreg s15  }
0x1b: {  	s17 =	simm.s32 $0x1C00;
	[dreg:$0x1b] =	wrdreg s16  }
0x1c: {  	[dreg:$0x1c] =	wrdreg s17;
	s18 =	simm.s32 $0x1880  }
0x1d: {  	s19 =	simm.s32 $0x1C80;
	[dreg:$0x1d] =	wrdreg s18  }
0x1e: {  	s20 =	simm.s32 $0x1900;
	[dreg:$0x1e] =	wrdreg s19  }
0x1f: {  	s21 =	simm.s32 $0x1D00;
	[dreg:$0x1f] =	wrdreg s20  }
0x20: {  	s22 =	simm.s32 $0x1980;
	[smem:$0x7E9] =	sst s21  }
0x21: {  	s23 =	simm.s32 $0x1D80;
	[smem:$0x7EA] =	sst s22  }
0x22: {  	s24 =	simm.s32 $0x1A00;
	[smem:$0x7EB] =	sst s23  }
0x23: {  	s25 =	simm.s32 $0x1E00;
	[smem:$0x7EC] =	sst s24  }
0x24: {  	s26 =	simm.s32 $0x1A80;
	[smem:$0x7ED] =	sst s25  }
0x25: {  	s3 =	simm.s32 $0x1E80;
	[smem:$0x7EE] =	sst s26  }
0x26: {  	s5 =	simm.s32 $0x1B00;
	[smem:$0x7EF] =	sst s3  }
0x27: {  	s6 =	simm.s32 $0x1F00;
	[smem:$0x7F0] =	sst s5  }
0x28: {  	s7 =	simm.s32 $0x1B80;
	[smem:$0x7F1] =	sst s6  }
0x29: {  	s8 =	simm.s32 $0x1F80;
	[smem:$0x7F2] =	sst s7  }
0x2a: {  	s9 =	simm.s32 $0x2800;
	[smem:$0x7F3] =	sst s8  }
0x2b: {  	s10 =	simm.s32 $0x2C00;
	[smem:$0x7F4] =	sst s9  }
0x2c: {  	s11 =	simm.s32 $0x2880;
	[smem:$0x7F5] =	sst s10  }
0x2d: {  	s12 =	simm.s32 $0x2C80;
	[smem:$0x7F6] =	sst s11  }
0x2e: {  	s13 =	simm.s32 $0x2900;
	[smem:$0x7F7] =	sst s12  }
0x2f: {  	s14 =	simm.s32 $0x2D00;
	[smem:$0x7F8] =	sst s13  }
0x30: {  	s15 =	simm.s32 $0x2980;
	[smem:$0x7F9] =	sst s14  }
0x31: {  	s16 =	simm.s32 $0x2D80;
	[smem:$0x7FA] =	sst s15  }
0x32: {  	s17 =	simm.s32 $0x2A00;
	[smem:$0x7FB] =	sst s16  }
0x33: {  	[smem:$0x7FC] =	sst s17  }
0x34: {  	s5 =	rddreg [dreg:$0xa]  }
0x35: {  	s6 =	rddreg [dreg:$0x9]  }
0x36: {  	s19 =	srdreg.scid;
	s7 =	rddreg [dreg:$0x8]  }
0x37: {  	s3 =	stileid.u32;
	s9 =	rddreg [dreg:$0x5]  }
0x38: {  	[tilespmem:s2], [sflag:$0x1] =	stream.linear.gather [hbm4b:s1+s2], $0x800, $0x38;
	[tilespmem:$0x4000] =	vst v63  }
0x39: {  	s10 =	rddreg [dreg:$0x6];
	s0 =	sand.u32 $0x1, s19;
	s8 =	sshll.u32 s3, $0x1  }
0x3a: {  	s23 =	rddreg [dreg:$0x7];
	s20 =	sshll.u32 s3, $0x6;
	s26 =	sor.u32 s0, s8  }
0x3b: {  	[tilespmem:s7], [sflag:$0x1] =	stream.linear.gather [hbm4b:s9+s2], $0x800, $0x38;
	[tilespmem:$0x4000] =	vst v63  }
0x3c: {  	s25 =	rddreg [dreg:$0xb];
	s21 =	sand.u32 $0x300, s20;
	s22 =	sshll.u32 s26, $0x4  }
0x3d: {  	[tilespmem:s6], [sflag:$0x1] =	stream.linear.gather [hbm4b:s10+s2], $0x800, $0x38;
	[tilespmem:$0x4000] =	vst v63  }
0x3e: {  	s1 =	rddreg [dreg:$0xc];
	s4 =	sadd.s32 s4, s21;
	s24 =	sand.u32 $0x70, s22  }
0x3f: {  	[tilespmem:s5], [sflag:$0x1] =	stream.linear.gather [hbm4b:s23+s2], $0x800, $0x38;
	[tilespmem:$0x4000] =	vst v63  }
0x40: {  	s11 =	rddreg [dreg:$0x11];
	s4 =	sadd.s32 s24, s4  }
0x41: {  	[tilespmem:s25], [sflag:$0x1] =	stream.linear.gather [hbm4b:s4+s2], $0x80, $0x38;
	[tilespmem:$0x4000] =	vst v63  }
0x42: {  	s12 =	rddreg [dreg:$0x12];
	s5 =	sadd.s32 $0x80, s4  }
0x43: {  	[tilespmem:s1], [sflag:$0x1] =	stream.linear.gather [hbm4b:s5+s2], $0x80, $0x38;
	[tilespmem:$0x4000] =	vst v63  }
0x44: {  	s3 =	rddreg [dreg:$0xd]  }
0x45: {  	[tilespmem:s3], [sflag:$0x1] =	stream.linear.gather [hbm4b:s4+s2], $0x80, $0x38;
	[tilespmem:$0x4000] =	vst v63  }
0x46: {  	s8 =	rddreg [dreg:$0xe]  }
0x47: {  	[tilespmem:s8], [sflag:$0x1] =	stream.linear.gather [hbm4b:s5+s2], $0x80, $0x38;
	[tilespmem:$0x4000] =	vst v63  }
0x48: {  	s9 =	rddreg [dreg:$0xf]  }
0x49: {  	[tilespmem:s9], [sflag:$0x1] =	stream.linear.gather [hbm4b:s4+s2], $0x80, $0x38;
	[tilespmem:$0x4000] =	vst v63  }
0x4a: {  	s10 =	rddreg [dreg:$0x10]  }
0x4b: {  	[tilespmem:s10], [sflag:$0x1] =	stream.linear.gather [hbm4b:s5+s2], $0x80, $0x38;
	[tilespmem:$0x4000] =	vst v63  }
0x4c: {  	s13 =	rddreg [dreg:$0x13]  }
0x4d: {  	[tilespmem:s11], [sflag:$0x1] =	stream.linear.gather [hbm4b:s4+s2], $0x80, $0x38;
	[tilespmem:$0x4000] =	vst v63  }
0x4e: {  	s14 =	rddreg [dreg:$0x14]  }
0x4f: {  	[tilespmem:s12], [sflag:$0x1] =	stream.linear.gather [hbm4b:s5+s2], $0x80, $0x38;
	[tilespmem:$0x4000] =	vst v63  }
0x50: {  	s15 =	rddreg [dreg:$0x15]  }
0x51: {  	[tilespmem:s13], [sflag:$0x1] =	stream.linear.gather [hbm4b:s4+s2], $0x80, $0x38;
	[tilespmem:$0x4000] =	vst v63  }
0x52: {  	s16 =	rddreg [dreg:$0x16]  }
0x53: {  	[tilespmem:s14], [sflag:$0x1] =	stream.linear.gather [hbm4b:s5+s2], $0x80, $0x38;
	[tilespmem:$0x4000] =	vst v63  }
0x54: {  	s18 =	simm.s32 $0x2E00;
	s17 =	rddreg [dreg:$0x17]  }
0x55: {  	[tilespmem:s15], [sflag:$0x1] =	stream.linear.gather [hbm4b:s4+s2], $0x80, $0x38;
	[tilespmem:$0x4000] =	vst v63  }
0x56: {  	[smem:$0x7FD] =	sst s18  }
0x57: {  	[tilespmem:s16], [sflag:$0x1] =	stream.linear.gather [hbm4b:s5+s2], $0x80, $0x38;
	[tilespmem:$0x4000] =	vst v63  }
0x58: {  	s18 =	rddreg [dreg:$0x18]  }
0x59: {  	[tilespmem:s17], [sflag:$0x1] =	stream.linear.gather [hbm4b:s4+s2], $0x80, $0x38;
	[tilespmem:$0x4000] =	vst v63  }
0x5a: {  	s19 =	rddreg [dreg:$0x19]  }
0x5b: {  	[tilespmem:s18], [sflag:$0x1] =	stream.linear.gather [hbm4b:s5+s2], $0x80, $0x38;
	[tilespmem:$0x4000] =	vst v63  }
0x5c: {  	s20 =	rddreg [dreg:$0x1a]  }
0x5d: {  	[tilespmem:s19], [sflag:$0x1] =	stream.linear.gather [hbm4b:s4+s2], $0x80, $0x38;
	[tilespmem:$0x4000] =	vst v63  }
0x5e: {  	s21 =	rddreg [dreg:$0x1b]  }
0x5f: {  	[tilespmem:s20], [sflag:$0x1] =	stream.linear.gather [hbm4b:s5+s2], $0x80, $0x38;
	[tilespmem:$0x4000] =	vst v63  }
0x60: {  	s22 =	rddreg [dreg:$0x1c]  }
0x61: {  	[tilespmem:s21], [sflag:$0x1] =	stream.linear.gather [hbm4b:s4+s2], $0x80, $0x38;
	[tilespmem:$0x4000] =	vst v63  }
0x62: {  	s24 =	rddreg [dreg:$0x1e]  }
0x63: {  	[tilespmem:s22], [sflag:$0x1] =	stream.linear.gather [hbm4b:s5+s2], $0x80, $0x38;
	[tilespmem:$0x4000] =	vst v63  }
0x64: {  	s23 =	rddreg [dreg:$0x1d]  }
0x65: {  	[tilespmem:s23], [sflag:$0x1] =	stream.linear.gather [hbm4b:s4+s2], $0x80, $0x38;
	[tilespmem:$0x4000] =	vst v63  }
0x66: {  	s25 =	rddreg [dreg:$0x1f]  }
0x67: {  	[tilespmem:s24], [sflag:$0x1] =	stream.linear.gather [hbm4b:s5+s2], $0x80, $0x38;
	[tilespmem:$0x4000] =	vst v63  }
0x68: {  	s1 =	sld [smem:$0x7E9]  }
0x69: {  	[tilespmem:s25], [sflag:$0x1] =	stream.linear.gather [hbm4b:s4+s2], $0x80, $0x38;
	[tilespmem:$0x4000] =	vst v63  }
0x6a: {  	s3 =	sld [smem:$0x7EA]  }
0x6b: {  	[tilespmem:s1], [sflag:$0x1] =	stream.linear.gather [hbm4b:s5+s2], $0x80, $0x38;
	[tilespmem:$0x4000] =	vst v63  }
0x6c: {  	s8 =	sld [smem:$0x7EB]  }
0x6d: {  	[tilespmem:s3], [sflag:$0x1] =	stream.linear.gather [hbm4b:s4+s2], $0x80, $0x38;
	[tilespmem:$0x4000] =	vst v63  }
0x6e: {  	s9 =	sld [smem:$0x7EC]  }
0x6f: {  	[tilespmem:s8], [sflag:$0x1] =	stream.linear.gather [hbm4b:s5+s2], $0x80, $0x38;
	[tilespmem:$0x4000] =	vst v63  }
0x70: {  	s10 =	sld [smem:$0x7ED]  }
0x71: {  	[tilespmem:s9], [sflag:$0x1] =	stream.linear.gather [hbm4b:s4+s2], $0x80, $0x38;
	[tilespmem:$0x4000] =	vst v63  }
0x72: {  	s11 =	sld [smem:$0x7EE]  }
0x73: {  	[tilespmem:s10], [sflag:$0x1] =	stream.linear.gather [hbm4b:s5+s2], $0x80, $0x38;
	[tilespmem:$0x4000] =	vst v63  }
0x74: {  	s12 =	sld [smem:$0x7EF]  }
0x75: {  	[tilespmem:s11], [sflag:$0x1] =	stream.linear.gather [hbm4b:s4+s2], $0x80, $0x38;
	[tilespmem:$0x4000] =	vst v63  }
0x76: {  	s13 =	sld [smem:$0x7F0]  }
0x77: {  	[tilespmem:s12], [sflag:$0x1] =	stream.linear.gather [hbm4b:s5+s2], $0x80, $0x38;
	[tilespmem:$0x4000] =	vst v63  }
0x78: {  	s14 =	sld [smem:$0x7F1]  }
0x79: {  	[tilespmem:s13], [sflag:$0x1] =	stream.linear.gather [hbm4b:s4+s2], $0x80, $0x38;
	[tilespmem:$0x4000] =	vst v63  }
0x7a: {  	s15 =	sld [smem:$0x7F2]  }
0x7b: {  	[tilespmem:s14], [sflag:$0x1] =	stream.linear.gather [hbm4b:s5+s2], $0x80, $0x38;
	[tilespmem:$0x4000] =	vst v63  }
0x7c: {  	s16 =	sld [smem:$0x7F3]  }
0x7d: {  	[tilespmem:s15], [sflag:$0x1] =	stream.linear.gather [hbm4b:s4+s2], $0x80, $0x38;
	[tilespmem:$0x4000] =	vst v63  }
0x7e: {  	s17 =	sld [smem:$0x7F4]  }
0x7f: {  	[tilespmem:s16], [sflag:$0x1] =	stream.linear.gather [hbm4b:s5+s2], $0x80, $0x38;
	[tilespmem:$0x4000] =	vst v63  }
0x80: {  	s18 =	sld [smem:$0x7F5]  }
0x81: {  	[tilespmem:s17], [sflag:$0x1] =	stream.linear.gather [hbm4b:s4+s2], $0x80, $0x38;
	[tilespmem:$0x4000] =	vst v63  }
0x82: {  	s19 =	sld [smem:$0x7F6]  }
0x83: {  	[tilespmem:s18], [sflag:$0x1] =	stream.linear.gather [hbm4b:s5+s2], $0x80, $0x38;
	[tilespmem:$0x4000] =	vst v63  }
0x84: {  	s20 =	sld [smem:$0x7F7]  }
0x85: {  	[tilespmem:s19], [sflag:$0x1] =	stream.linear.gather [hbm4b:s4+s2], $0x80, $0x38;
	[tilespmem:$0x4000] =	vst v63  }
0x86: {  	s21 =	sld [smem:$0x7F8]  }
0x87: {  	[tilespmem:s20], [sflag:$0x1] =	stream.linear.gather [hbm4b:s5+s2], $0x80, $0x38;
	[tilespmem:$0x4000] =	vst v63  }
0x88: {  	s22 =	sld [smem:$0x7F9]  }
0x89: {  	[tilespmem:s21], [sflag:$0x1] =	stream.linear.gather [hbm4b:s4+s2], $0x80, $0x38;
	[tilespmem:$0x4000] =	vst v63  }
0x8a: {  	s23 =	sld [smem:$0x7FA]  }
0x8b: {  	[tilespmem:s22], [sflag:$0x1] =	stream.linear.gather [hbm4b:s5+s2], $0x80, $0x38;
	[tilespmem:$0x4000] =	vst v63  }
0x8c: {  	s24 =	sld [smem:$0x7FB]  }
0x8d: {  	[tilespmem:s23], [sflag:$0x1] =	stream.linear.gather [hbm4b:s4+s2], $0x80, $0x38;
	[tilespmem:$0x4000] =	vst v63  }
0x8e: {  	s25 =	sld [smem:$0x7FC]  }
0x8f: {  	[tilespmem:s24], [sflag:$0x1] =	stream.linear.gather [hbm4b:s5+s2], $0x80, $0x38;
	[tilespmem:$0x4000] =	vst v63  }
0x90: {  	s1 =	sld [smem:$0x7FD]  }
0x91: {  	[tilespmem:s25], [sflag:$0x1] =	stream.linear.gather [hbm4b:s4+s2], $0x80, $0x38;
	[tilespmem:$0x4000] =	vst v63  }
0x92: {  	_ = 	snop  }
0x93: {  	[tilespmem:s1], [sflag:$0x1] =	stream.linear.gather [hbm4b:s5+s2], $0x80, $0x38;
	[tilespmem:$0x4000] =	vst v63  }
0x94: {  	s3 =	simm.s32 $0x2A80  }
0x95: {  	[tilespmem:s3], [sflag:$0x1] =	stream.linear.gather [hbm4b:s4+s2], $0x80, $0x38;
	[tilespmem:$0x4000] =	vst v63  }
0x96: {  	s6 =	simm.s32 $0x2E80  }
0x97: {  	[tilespmem:s6], [sflag:$0x1] =	stream.linear.gather [hbm4b:s5+s2], $0x80, $0x38;
	[tilespmem:$0x4000] =	vst v63  }
0x98: {  	s7 =	simm.s32 $0x2B00  }
0x99: {  	[tilespmem:s7], [sflag:$0x1] =	stream.linear.gather [hbm4b:s4+s2], $0x80, $0x38;
	[tilespmem:$0x4000] =	vst v63  }
0x9a: {  	s9 =	simm.s32 $0x2F00  }
0x9b: {  	[tilespmem:s9], [sflag:$0x1] =	stream.linear.gather [hbm4b:s5+s2], $0x80, $0x38;
	[tilespmem:$0x4000] =	vst v63  }
0x9c: {  	s10 =	simm.s32 $0x2B80  }
0x9d: {  	[tilespmem:s10], [sflag:$0x1] =	stream.linear.gather [hbm4b:s4+s2], $0x80, $0x38;
	[tilespmem:$0x4000] =	vst v63  }
0x9e: {  	s11 =	simm.s32 $0x2F80  }
0x9f: {  	[tilespmem:s11], [sflag:$0x1] =	stream.linear.gather [hbm4b:s5+s2], $0x80, $0x38;
	[tilespmem:$0x4000] =	vst v63  }
0xa0: {  	s12 =	simm.s32 $0x3800  }
0xa1: {  	[tilespmem:s12], [sflag:$0x1] =	stream.linear.gather [hbm4b:s4+s2], $0x80, $0x38;
	[tilespmem:$0x4000] =	vst v63  }
0xa2: {  	s13 =	simm.s32 $0x3C00  }
0xa3: {  	[tilespmem:s13], [sflag:$0x1] =	stream.linear.gather [hbm4b:s5+s2], $0x80, $0x38;
	[tilespmem:$0x4000] =	vst v63  }
0xa4: {  	s14 =	simm.s32 $0x3880  }
0xa5: {  	[tilespmem:s14], [sflag:$0x1] =	stream.linear.gather [hbm4b:s4+s2], $0x80, $0x38;
	[tilespmem:$0x4000] =	vst v63  }
0xa6: {  	s15 =	simm.s32 $0x3C80  }
0xa7: {  	[tilespmem:s15], [sflag:$0x1] =	stream.linear.gather [hbm4b:s5+s2], $0x80, $0x38;
	[tilespmem:$0x4000] =	vst v63  }
0xa8: {  	s16 =	simm.s32 $0x3900  }
0xa9: {  	[tilespmem:s16], [sflag:$0x1] =	stream.linear.gather [hbm4b:s4+s2], $0x80, $0x38;
	[tilespmem:$0x4000] =	vst v63  }
0xaa: {  	s17 =	simm.s32 $0x3D00  }
0xab: {  	[tilespmem:s17], [sflag:$0x1] =	stream.linear.gather [hbm4b:s5+s2], $0x80, $0x38;
	[tilespmem:$0x4000] =	vst v63  }
0xac: {  	s18 =	simm.s32 $0x3980  }
0xad: {  	[tilespmem:s18], [sflag:$0x1] =	stream.linear.gather [hbm4b:s4+s2], $0x80, $0x38;
	[tilespmem:$0x4000] =	vst v63  }
0xae: {  	s19 =	simm.s32 $0x3D80  }
0xaf: {  	[tilespmem:s19], [sflag:$0x1] =	stream.linear.gather [hbm4b:s5+s2], $0x80, $0x38;
	[tilespmem:$0x4000] =	vst v63  }
0xb0: {  	s20 =	simm.s32 $0x3A00  }
0xb1: {  	[tilespmem:s20], [sflag:$0x1] =	stream.linear.gather [hbm4b:s4+s2], $0x80, $0x38;
	[tilespmem:$0x4000] =	vst v63  }
0xb2: {  	s21 =	simm.s32 $0x3E00  }
0xb3: {  	[tilespmem:s21], [sflag:$0x1] =	stream.linear.gather [hbm4b:s5+s2], $0x80, $0x38;
	[tilespmem:$0x4000] =	vst v63  }
0xb4: {  	s22 =	simm.s32 $0x3A80  }
0xb5: {  	[tilespmem:s22], [sflag:$0x1] =	stream.linear.gather [hbm4b:s4+s2], $0x80, $0x38;
	[tilespmem:$0x4000] =	vst v63  }
0xb6: {  	s23 =	simm.s32 $0x3E80  }
0xb7: {  	[tilespmem:s23], [sflag:$0x1] =	stream.linear.gather [hbm4b:s5+s2], $0x80, $0x38;
	[tilespmem:$0x4000] =	vst v63  }
0xb8: {  	s29 =	sshll.u32 s26, $0xB;
	s24 =	simm.s32 $0x3B00  }
0xb9: {  	[tilespmem:s24], [sflag:$0x1] =	stream.linear.gather [hbm4b:s4+s2], $0x80, $0x38;
	[tilespmem:$0x4000] =	vst v63  }
0xba: {  	s28 =	sadd.s32 s28, s29;
	s25 =	simm.s32 $0x3F00  }
0xbb: {  	[tilespmem:s25], [sflag:$0x1] =	stream.linear.gather [hbm4b:s5+s2], $0x80, $0x38;
	[tilespmem:$0x4000] =	vst v63  }
0xbc: {  	s26 =	simm.s32 $0x3B80;
	s30 =	sadd.s32 $0x10000, s28  }
0xbd: {  	[tilespmem:s26], [sflag:$0x1] =	stream.linear.gather [hbm4b:s4+s2], $0x80, $0x38;
	[tilespmem:$0x4000] =	vst v63  }
0xbe: {  	s29 =	simm.s32 $0x3F80;
	[dreg:$0x4] =	wrdreg s30;
	s30 =	simm.s32 $0x1  }
0xbf: {  	[tilespmem:s29], [sflag:$0x1] =	stream.linear.gather [hbm4b:s5+s2], $0x80, $0x38;
	[tilespmem:$0x4000] =	vst v63  }
0xc0: {  	_ =	swait.ge [sflag:s30], $0x2000  }
0xc1: {  	[sflag:s30] =	ssyncset.done $0x0  }
0xc2: {  	[sflag:s30] =	ssyncadd.s32 $0xFFFFE000  }
0xc3: {  	_ =	swait.ge [sflag:s30], $0x100  }
0xc4: {  	[sflag:s30] =	ssyncset.done $0x0  }
0xc5: {  	[sflag:s30] =	ssyncadd.s32 $0xFFFFFF00  }
0xc6: {  	_ =	swait.ge [sflag:s30], $0x100  }
0xc7: {  	[sflag:s30] =	ssyncset.done $0x0  }
0xc8: {  	[sflag:s30] =	ssyncadd.s32 $0xFFFFFF00  }
0xc9: {  	_ =	swait.ge [sflag:s30], $0x100  }
0xca: {  	[sflag:s30] =	ssyncset.done $0x0  }
0xcb: {  	[sflag:s30] =	ssyncadd.s32 $0xFFFFFF00  }
0xcc: {  	_ =	swait.ge [sflag:s30], $0x100  }
0xcd: {  	[sflag:s30] =	ssyncset.done $0x0  }
0xce: {  	[sflag:s30] =	ssyncadd.s32 $0xFFFFFF00  }
0xcf: {  	_ =	swait.ge [sflag:s30], $0x100  }
0xd0: {  	[sflag:s30] =	ssyncset.done $0x0  }
0xd1: {  	[sflag:s30] =	ssyncadd.s32 $0xFFFFFF00  }
0xd2: {  	_ =	swait.ge [sflag:s30], $0x100  }
0xd3: {  	[sflag:s30] =	ssyncset.done $0x0  }
0xd4: {  	[sflag:s30] =	ssyncadd.s32 $0xFFFFFF00  }
0xd5: {  	_ =	swait.ge [sflag:s30], $0x100  }
0xd6: {  	[sflag:s30] =	ssyncset.done $0x0  }
0xd7: {  	[sflag:s30] =	ssyncadd.s32 $0xFFFFFF00  }
0xd8: {  	_ =	swait.ge [sflag:s30], $0x100  }
0xd9: {  	[sflag:s30] =	ssyncset.done $0x0  }
0xda: {  	[sflag:s30] =	ssyncadd.s32 $0xFFFFFF00  }
0xdb: {  	_ =	swait.ge [sflag:s30], $0x100  }
0xdc: {  	[sflag:s30] =	ssyncset.done $0x0  }
0xdd: {  	[sflag:s30] =	ssyncadd.s32 $0xFFFFFF00  }
0xde: {  	_ =	swait.ge [sflag:s30], $0x100  }
0xdf: {  	[sflag:s30] =	ssyncset.done $0x0  }
0xe0: {  	[sflag:s30] =	ssyncadd.s32 $0xFFFFFF00  }
0xe1: {  	_ =	swait.ge [sflag:s30], $0x100  }
0xe2: {  	[sflag:s30] =	ssyncset.done $0x0  }
0xe3: {  	[sflag:s30] =	ssyncadd.s32 $0xFFFFFF00  }
0xe4: {  	_ =	swait.ge [sflag:s30], $0x100  }
0xe5: {  	[sflag:s30] =	ssyncset.done $0x0  }
0xe6: {  	[sflag:s30] =	ssyncadd.s32 $0xFFFFFF00  }
0xe7: {  	_ =	swait.ge [sflag:s30], $0x100  }
0xe8: {  	[sflag:s30] =	ssyncset.done $0x0  }
0xe9: {  	[sflag:s30] =	ssyncadd.s32 $0xFFFFFF00  }
0xea: {  	_ =	swait.ge [sflag:s30], $0x100  }
0xeb: {  	[sflag:s30] =	ssyncset.done $0x0  }
0xec: {  	[sflag:s30] =	ssyncadd.s32 $0xFFFFFF00  }
0xed: {  	_ =	swait.ge [sflag:s30], $0x100  }
0xee: {  	[sflag:s30] =	ssyncset.done $0x0  }
0xef: {  	[sflag:s30] =	ssyncadd.s32 $0xFFFFFF00  }
0xf0: {  	_ =	swait.ge [sflag:s30], $0x100  }
0xf1: {  	[sflag:s30] =	ssyncset.done $0x0  }
0xf2: {  	[sflag:s30] =	ssyncadd.s32 $0xFFFFFF00  }
0xf3: {  	_ =	swait.ge [sflag:s30], $0x100  }
0xf4: {  	[sflag:s30] =	ssyncset.done $0x0  }
0xf5: {  	[sflag:s30] =	ssyncadd.s32 $0xFFFFFF00  }
0xf6: {  	_ =	swait.ge [sflag:s30], $0x100  }
0xf7: {  	[sflag:s30] =	ssyncset.done $0x0  }
0xf8: {  	[sflag:s30] =	ssyncadd.s32 $0xFFFFFF00  }
0xf9: {  	_ =	swait.ge [sflag:s30], $0x100  }
0xfa: {  	[sflag:s30] =	ssyncset.done $0x0  }
0xfb: {  	[sflag:s30] =	ssyncadd.s32 $0xFFFFFF00  }
0xfc: {  	_ =	swait.ge [sflag:s30], $0x100  }
0xfd: {  	[sflag:s30] =	ssyncset.done $0x0  }
0xfe: {  	[sflag:s30] =	ssyncadd.s32 $0xFFFFFF00  }
0xff: {  	_ =	swait.ge [sflag:s30], $0x100  }
0x100: {  	[sflag:s30] =	ssyncset.done $0x0  }
0x101: {  	[sflag:s30] =	ssyncadd.s32 $0xFFFFFF00  }
0x102: {  	_ =	swait.ge [sflag:s30], $0x100  }
0x103: {  	[sflag:s30] =	ssyncset.done $0x0  }
0x104: {  	[sflag:s30] =	ssyncadd.s32 $0xFFFFFF00  }
0x105: {  	_ =	swait.ge [sflag:s30], $0x100  }
0x106: {  	[sflag:s30] =	ssyncset.done $0x0  }
0x107: {  	[sflag:s30] =	ssyncadd.s32 $0xFFFFFF00  }
0x108: {  	_ =	swait.ge [sflag:s30], $0x100  }
0x109: {  	[sflag:s30] =	ssyncset.done $0x0  }
0x10a: {  	[sflag:s30] =	ssyncadd.s32 $0xFFFFFF00  }
0x10b: {  	_ =	swait.ge [sflag:s30], $0x100  }
0x10c: {  	[sflag:s30] =	ssyncset.done $0x0  }
0x10d: {  	[sflag:s30] =	ssyncadd.s32 $0xFFFFFF00  }
0x10e: {  	_ =	swait.ge [sflag:s30], $0x100  }
0x10f: {  	[sflag:s30] =	ssyncset.done $0x0  }
0x110: {  	[sflag:s30] =	ssyncadd.s32 $0xFFFFFF00  }
0x111: {  	_ =	swait.ge [sflag:s30], $0x100  }
0x112: {  	[sflag:s30] =	ssyncset.done $0x0  }
0x113: {  	[sflag:s30] =	ssyncadd.s32 $0xFFFFFF00  }
0x114: {  	_ =	swait.ge [sflag:s30], $0x100  }
0x115: {  	[sflag:s30] =	ssyncset.done $0x0  }
0x116: {  	[sflag:s30] =	ssyncadd.s32 $0xFFFFFF00  }
0x117: {  	_ =	swait.ge [sflag:s30], $0x100  }
0x118: {  	[sflag:s30] =	ssyncset.done $0x0  }
0x119: {  	[sflag:s30] =	ssyncadd.s32 $0xFFFFFF00  }
0x11a: {  	_ =	swait.ge [sflag:s30], $0x100  }
0x11b: {  	[sflag:s30] =	ssyncset.done $0x0  }
0x11c: {  	[sflag:s30] =	ssyncadd.s32 $0xFFFFFF00  }
0x11d: {  	_ =	swait.ge [sflag:s30], $0x100  }
0x11e: {  	[sflag:s30] =	ssyncset.done $0x0  }
0x11f: {  	[sflag:s30] =	ssyncadd.s32 $0xFFFFFF00  }
0x120: {  	s0 =	ssub.s32 $0x2, s0;
	_ =	swait.ge [sflag:s30], $0x100  }
0x121: {  	s8 =	sshrl.u32 s0, $0x1;
	[sflag:s30] =	ssyncset.done $0x0  }
0x122: {  	s0 =	ssub.s32 s0, s8;
	[sflag:s30] =	ssyncadd.s32 $0xFFFFFF00  }
0x123: {  	[hbm4b:s28+s2] =	stream.linear.scatter [tilespmem:s2], [sflag:$0x2], $0x4000, $0x38;
	[tilespmem:$0x4000] =	vst v63  }
0x124: {  	s0 =	smax.u32 s0, $0x1;
	s31 =	rddreg [dreg:$0x4]  }
0x125: {  	[hbm4b:s31+s2] =	stream.linear.scatter [tilespmem:s2], [sflag:$0x2], $0x4000, $0x38;
	[tilespmem:$0x4000] =	vst v63  }
0x126: {  	p0 =	sne.s32 s0, $0x1;
	s31 =	simm.s32 $0x2  }
.Ltmp0:
0x127: {  	_ =	swait.ge [sflag:s31], $0x4000;
	(pc) =	sbr.rel @!p0 .LBB2_2-.Ltmp0, $4  }
0x128: {  	[sflag:s31] =	ssyncset.done $0x0  }
0x129: {  	[sflag:s31] =	ssyncadd.s32 $0xFFFFC000  }
0x12a: {  	_ =	swait.ge [sflag:s31], $0x4000  }
0x12b: {  	s0 =	sadd.s32 $0xFFFFFFFF, s0;
	[sflag:s31] =	ssyncset.done $0x0  }
.LBB2_1:
0x12c: {  	s3 =	rddreg [dreg:$0xa]  }
0x12d: {  	s1 =	rddreg [dreg:$0x9]  }
0x12e: {  	s6 =	rddreg [dreg:$0x8]  }
0x12f: {  	[sflag:s31] =	ssyncadd.s32 $0xFFFFC000;
	s7 =	rddreg [dreg:$0x5]  }
0x130: {  	s8 =	rddreg [dreg:$0x1]  }
0x131: {  	[tilespmem:s2], [sflag:$0x1] =	stream.linear.gather [hbm4b:s8+s2], $0x800, $0x38;
	[tilespmem:$0x4000] =	vst v63  }
0x132: {  	s8 =	rddreg [dreg:$0x6]  }
0x133: {  	[tilespmem:s6], [sflag:$0x1] =	stream.linear.gather [hbm4b:s7+s2], $0x800, $0x38;
	[tilespmem:$0x4000] =	vst v63  }
0x134: {  	s7 =	rddreg [dreg:$0x7]  }
0x135: {  	[tilespmem:s1], [sflag:$0x1] =	stream.linear.gather [hbm4b:s8+s2], $0x800, $0x38;
	[tilespmem:$0x4000] =	vst v63  }
0x136: {  	s6 =	rddreg [dreg:$0xe]  }
0x137: {  	[tilespmem:s3], [sflag:$0x1] =	stream.linear.gather [hbm4b:s7+s2], $0x800, $0x38;
	[tilespmem:$0x4000] =	vst v63  }
0x138: {  	s8 =	rddreg [dreg:$0xb]  }
0x139: {  	[tilespmem:s8], [sflag:$0x1] =	stream.linear.gather [hbm4b:s4+s2], $0x80, $0x38;
	[tilespmem:$0x4000] =	vst v63  }
0x13a: {  	s7 =	rddreg [dreg:$0xc]  }
0x13b: {  	[tilespmem:s7], [sflag:$0x1] =	stream.linear.gather [hbm4b:s5+s2], $0x80, $0x38;
	[tilespmem:$0x4000] =	vst v63  }
0x13c: {  	s8 =	rddreg [dreg:$0xd]  }
0x13d: {  	[tilespmem:s8], [sflag:$0x1] =	stream.linear.gather [hbm4b:s4+s2], $0x80, $0x38;
	[tilespmem:$0x4000] =	vst v63  }
0x13e: {  	s7 =	rddreg [dreg:$0xf]  }
0x13f: {  	[tilespmem:s6], [sflag:$0x1] =	stream.linear.gather [hbm4b:s5+s2], $0x80, $0x38;
	[tilespmem:$0x4000] =	vst v63  }
0x140: {  	s8 =	rddreg [dreg:$0x10]  }
0x141: {  	[tilespmem:s7], [sflag:$0x1] =	stream.linear.gather [hbm4b:s4+s2], $0x80, $0x38;
	[tilespmem:$0x4000] =	vst v63  }
0x142: {  	s6 =	rddreg [dreg:$0x11]  }
0x143: {  	[tilespmem:s8], [sflag:$0x1] =	stream.linear.gather [hbm4b:s5+s2], $0x80, $0x38;
	[tilespmem:$0x4000] =	vst v63  }
0x144: {  	s7 =	rddreg [dreg:$0x12]  }
0x145: {  	[tilespmem:s6], [sflag:$0x1] =	stream.linear.gather [hbm4b:s4+s2], $0x80, $0x38;
	[tilespmem:$0x4000] =	vst v63  }
0x146: {  	s8 =	rddreg [dreg:$0x13]  }
0x147: {  	[tilespmem:s7], [sflag:$0x1] =	stream.linear.gather [hbm4b:s5+s2], $0x80, $0x38;
	[tilespmem:$0x4000] =	vst v63  }
0x148: {  	s6 =	rddreg [dreg:$0x14]  }
0x149: {  	[tilespmem:s8], [sflag:$0x1] =	stream.linear.gather [hbm4b:s4+s2], $0x80, $0x38;
	[tilespmem:$0x4000] =	vst v63  }
0x14a: {  	s7 =	rddreg [dreg:$0x15]  }
0x14b: {  	[tilespmem:s6], [sflag:$0x1] =	stream.linear.gather [hbm4b:s5+s2], $0x80, $0x38;
	[tilespmem:$0x4000] =	vst v63  }
0x14c: {  	s8 =	rddreg [dreg:$0x16]  }
0x14d: {  	[tilespmem:s7], [sflag:$0x1] =	stream.linear.gather [hbm4b:s4+s2], $0x80, $0x38;
	[tilespmem:$0x4000] =	vst v63  }
0x14e: {  	s6 =	rddreg [dreg:$0x17]  }
0x14f: {  	[tilespmem:s8], [sflag:$0x1] =	stream.linear.gather [hbm4b:s5+s2], $0x80, $0x38;
	[tilespmem:$0x4000] =	vst v63  }
0x150: {  	s7 =	rddreg [dreg:$0x18]  }
0x151: {  	[tilespmem:s6], [sflag:$0x1] =	stream.linear.gather [hbm4b:s4+s2], $0x80, $0x38;
	[tilespmem:$0x4000] =	vst v63  }
0x152: {  	s8 =	rddreg [dreg:$0x19]  }
0x153: {  	[tilespmem:s7], [sflag:$0x1] =	stream.linear.gather [hbm4b:s5+s2], $0x80, $0x38;
	[tilespmem:$0x4000] =	vst v63  }
0x154: {  	s6 =	rddreg [dreg:$0x1a]  }
0x155: {  	[tilespmem:s8], [sflag:$0x1] =	stream.linear.gather [hbm4b:s4+s2], $0x80, $0x38;
	[tilespmem:$0x4000] =	vst v63  }
0x156: {  	s7 =	rddreg [dreg:$0x1b]  }
0x157: {  	[tilespmem:s6], [sflag:$0x1] =	stream.linear.gather [hbm4b:s5+s2], $0x80, $0x38;
	[tilespmem:$0x4000] =	vst v63  }
0x158: {  	s8 =	rddreg [dreg:$0x1c]  }
0x159: {  	[tilespmem:s7], [sflag:$0x1] =	stream.linear.gather [hbm4b:s4+s2], $0x80, $0x38;
	[tilespmem:$0x4000] =	vst v63  }
0x15a: {  	s6 =	rddreg [dreg:$0x1d]  }
0x15b: {  	[tilespmem:s8], [sflag:$0x1] =	stream.linear.gather [hbm4b:s5+s2], $0x80, $0x38;
	[tilespmem:$0x4000] =	vst v63  }
0x15c: {  	s7 =	rddreg [dreg:$0x1e]  }
0x15d: {  	[tilespmem:s6], [sflag:$0x1] =	stream.linear.gather [hbm4b:s4+s2], $0x80, $0x38;
	[tilespmem:$0x4000] =	vst v63  }
0x15e: {  	s8 =	rddreg [dreg:$0x1f]  }
0x15f: {  	[tilespmem:s7], [sflag:$0x1] =	stream.linear.gather [hbm4b:s5+s2], $0x80, $0x38;
	[tilespmem:$0x4000] =	vst v63  }
0x160: {  	s6 =	sld [smem:$0x7E9]  }
0x161: {  	[tilespmem:s8], [sflag:$0x1] =	stream.linear.gather [hbm4b:s4+s2], $0x80, $0x38;
	[tilespmem:$0x4000] =	vst v63  }
0x162: {  	s7 =	sld [smem:$0x7EA]  }
0x163: {  	[tilespmem:s6], [sflag:$0x1] =	stream.linear.gather [hbm4b:s5+s2], $0x80, $0x38;
	[tilespmem:$0x4000] =	vst v63  }
0x164: {  	s8 =	sld [smem:$0x7EB]  }
0x165: {  	[tilespmem:s7], [sflag:$0x1] =	stream.linear.gather [hbm4b:s4+s2], $0x80, $0x38;
	[tilespmem:$0x4000] =	vst v63  }
0x166: {  	s6 =	sld [smem:$0x7EC]  }
0x167: {  	[tilespmem:s8], [sflag:$0x1] =	stream.linear.gather [hbm4b:s5+s2], $0x80, $0x38;
	[tilespmem:$0x4000] =	vst v63  }
0x168: {  	s7 =	sld [smem:$0x7ED]  }
0x169: {  	[tilespmem:s6], [sflag:$0x1] =	stream.linear.gather [hbm4b:s4+s2], $0x80, $0x38;
	[tilespmem:$0x4000] =	vst v63  }
0x16a: {  	s8 =	sld [smem:$0x7EE]  }
0x16b: {  	[tilespmem:s7], [sflag:$0x1] =	stream.linear.gather [hbm4b:s5+s2], $0x80, $0x38;
	[tilespmem:$0x4000] =	vst v63  }
0x16c: {  	s6 =	sld [smem:$0x7EF]  }
0x16d: {  	[tilespmem:s8], [sflag:$0x1] =	stream.linear.gather [hbm4b:s4+s2], $0x80, $0x38;
	[tilespmem:$0x4000] =	vst v63  }
0x16e: {  	s7 =	sld [smem:$0x7F0]  }
0x16f: {  	[tilespmem:s6], [sflag:$0x1] =	stream.linear.gather [hbm4b:s5+s2], $0x80, $0x38;
	[tilespmem:$0x4000] =	vst v63  }
0x170: {  	s8 =	sld [smem:$0x7F1]  }
0x171: {  	[tilespmem:s7], [sflag:$0x1] =	stream.linear.gather [hbm4b:s4+s2], $0x80, $0x38;
	[tilespmem:$0x4000] =	vst v63  }
0x172: {  	s6 =	sld [smem:$0x7F2]  }
0x173: {  	[tilespmem:s8], [sflag:$0x1] =	stream.linear.gather [hbm4b:s5+s2], $0x80, $0x38;
	[tilespmem:$0x4000] =	vst v63  }
0x174: {  	s7 =	sld [smem:$0x7F3]  }
0x175: {  	[tilespmem:s6], [sflag:$0x1] =	stream.linear.gather [hbm4b:s4+s2], $0x80, $0x38;
	[tilespmem:$0x4000] =	vst v63  }
0x176: {  	s8 =	sld [smem:$0x7F4]  }
0x177: {  	[tilespmem:s7], [sflag:$0x1] =	stream.linear.gather [hbm4b:s5+s2], $0x80, $0x38;
	[tilespmem:$0x4000] =	vst v63  }
0x178: {  	s6 =	sld [smem:$0x7F5]  }
0x179: {  	[tilespmem:s8], [sflag:$0x1] =	stream.linear.gather [hbm4b:s4+s2], $0x80, $0x38;
	[tilespmem:$0x4000] =	vst v63  }
0x17a: {  	s7 =	sld [smem:$0x7F6]  }
0x17b: {  	[tilespmem:s6], [sflag:$0x1] =	stream.linear.gather [hbm4b:s5+s2], $0x80, $0x38;
	[tilespmem:$0x4000] =	vst v63  }
0x17c: {  	s8 =	sld [smem:$0x7F7]  }
0x17d: {  	[tilespmem:s7], [sflag:$0x1] =	stream.linear.gather [hbm4b:s4+s2], $0x80, $0x38;
	[tilespmem:$0x4000] =	vst v63  }
0x17e: {  	s6 =	sld [smem:$0x7F8]  }
0x17f: {  	[tilespmem:s8], [sflag:$0x1] =	stream.linear.gather [hbm4b:s5+s2], $0x80, $0x38;
	[tilespmem:$0x4000] =	vst v63  }
0x180: {  	s7 =	sld [smem:$0x7F9]  }
0x181: {  	[tilespmem:s6], [sflag:$0x1] =	stream.linear.gather [hbm4b:s4+s2], $0x80, $0x38;
	[tilespmem:$0x4000] =	vst v63  }
0x182: {  	s8 =	sld [smem:$0x7FA]  }
0x183: {  	[tilespmem:s7], [sflag:$0x1] =	stream.linear.gather [hbm4b:s5+s2], $0x80, $0x38;
	[tilespmem:$0x4000] =	vst v63  }
0x184: {  	s6 =	sld [smem:$0x7FB]  }
0x185: {  	[tilespmem:s8], [sflag:$0x1] =	stream.linear.gather [hbm4b:s4+s2], $0x80, $0x38;
	[tilespmem:$0x4000] =	vst v63  }
0x186: {  	s7 =	sld [smem:$0x7FC]  }
0x187: {  	[tilespmem:s6], [sflag:$0x1] =	stream.linear.gather [hbm4b:s5+s2], $0x80, $0x38;
	[tilespmem:$0x4000] =	vst v63  }
0x188: {  	s8 =	sld [smem:$0x7FD]  }
0x189: {  	[tilespmem:s7], [sflag:$0x1] =	stream.linear.gather [hbm4b:s4+s2], $0x80, $0x38;
	[tilespmem:$0x4000] =	vst v63  }
0x18a: {  	_ = 	snop  }
0x18b: {  	[tilespmem:s8], [sflag:$0x1] =	stream.linear.gather [hbm4b:s5+s2], $0x80, $0x38;
	[tilespmem:$0x4000] =	vst v63  }
0x18c: {  	s3 =	simm.s32 $0x2A80  }
0x18d: {  	[tilespmem:s3], [sflag:$0x1] =	stream.linear.gather [hbm4b:s4+s2], $0x80, $0x38;
	[tilespmem:$0x4000] =	vst v63  }
0x18e: {  	s6 =	simm.s32 $0x2E80  }
0x18f: {  	[tilespmem:s6], [sflag:$0x1] =	stream.linear.gather [hbm4b:s5+s2], $0x80, $0x38;
	[tilespmem:$0x4000] =	vst v63  }
0x190: {  	s7 =	simm.s32 $0x2B00  }
0x191: {  	[tilespmem:s7], [sflag:$0x1] =	stream.linear.gather [hbm4b:s4+s2], $0x80, $0x38;
	[tilespmem:$0x4000] =	vst v63  }
0x192: {  	_ = 	snop  }
0x193: {  	[tilespmem:s9], [sflag:$0x1] =	stream.linear.gather [hbm4b:s5+s2], $0x80, $0x38;
	[tilespmem:$0x4000] =	vst v63  }
0x194: {  	_ = 	snop  }
0x195: {  	[tilespmem:s10], [sflag:$0x1] =	stream.linear.gather [hbm4b:s4+s2], $0x80, $0x38;
	[tilespmem:$0x4000] =	vst v63  }
0x196: {  	_ = 	snop  }
0x197: {  	[tilespmem:s11], [sflag:$0x1] =	stream.linear.gather [hbm4b:s5+s2], $0x80, $0x38;
	[tilespmem:$0x4000] =	vst v63  }
0x198: {  	_ = 	snop  }
0x199: {  	[tilespmem:s12], [sflag:$0x1] =	stream.linear.gather [hbm4b:s4+s2], $0x80, $0x38;
	[tilespmem:$0x4000] =	vst v63  }
0x19a: {  	_ = 	snop  }
0x19b: {  	[tilespmem:s13], [sflag:$0x1] =	stream.linear.gather [hbm4b:s5+s2], $0x80, $0x38;
	[tilespmem:$0x4000] =	vst v63  }
0x19c: {  	_ = 	snop  }
0x19d: {  	[tilespmem:s14], [sflag:$0x1] =	stream.linear.gather [hbm4b:s4+s2], $0x80, $0x38;
	[tilespmem:$0x4000] =	vst v63  }
0x19e: {  	_ = 	snop  }
0x19f: {  	[tilespmem:s15], [sflag:$0x1] =	stream.linear.gather [hbm4b:s5+s2], $0x80, $0x38;
	[tilespmem:$0x4000] =	vst v63  }
0x1a0: {  	_ = 	snop  }
0x1a1: {  	[tilespmem:s16], [sflag:$0x1] =	stream.linear.gather [hbm4b:s4+s2], $0x80, $0x38;
	[tilespmem:$0x4000] =	vst v63  }
0x1a2: {  	_ = 	snop  }
0x1a3: {  	[tilespmem:s17], [sflag:$0x1] =	stream.linear.gather [hbm4b:s5+s2], $0x80, $0x38;
	[tilespmem:$0x4000] =	vst v63  }
0x1a4: {  	_ = 	snop  }
0x1a5: {  	[tilespmem:s18], [sflag:$0x1] =	stream.linear.gather [hbm4b:s4+s2], $0x80, $0x38;
	[tilespmem:$0x4000] =	vst v63  }
0x1a6: {  	_ = 	snop  }
0x1a7: {  	[tilespmem:s19], [sflag:$0x1] =	stream.linear.gather [hbm4b:s5+s2], $0x80, $0x38;
	[tilespmem:$0x4000] =	vst v63  }
0x1a8: {  	_ = 	snop  }
0x1a9: {  	[tilespmem:s20], [sflag:$0x1] =	stream.linear.gather [hbm4b:s4+s2], $0x80, $0x38;
	[tilespmem:$0x4000] =	vst v63  }
0x1aa: {  	_ = 	snop  }
0x1ab: {  	[tilespmem:s21], [sflag:$0x1] =	stream.linear.gather [hbm4b:s5+s2], $0x80, $0x38;
	[tilespmem:$0x4000] =	vst v63  }
0x1ac: {  	_ = 	snop  }
0x1ad: {  	[tilespmem:s22], [sflag:$0x1] =	stream.linear.gather [hbm4b:s4+s2], $0x80, $0x38;
	[tilespmem:$0x4000] =	vst v63  }
0x1ae: {  	_ = 	snop  }
0x1af: {  	[tilespmem:s23], [sflag:$0x1] =	stream.linear.gather [hbm4b:s5+s2], $0x80, $0x38;
	[tilespmem:$0x4000] =	vst v63  }
0x1b0: {  	_ = 	snop  }
0x1b1: {  	[tilespmem:s24], [sflag:$0x1] =	stream.linear.gather [hbm4b:s4+s2], $0x80, $0x38;
	[tilespmem:$0x4000] =	vst v63  }
0x1b2: {  	_ = 	snop  }
0x1b3: {  	[tilespmem:s25], [sflag:$0x1] =	stream.linear.gather [hbm4b:s5+s2], $0x80, $0x38;
	[tilespmem:$0x4000] =	vst v63  }
0x1b4: {  	_ = 	snop  }
0x1b5: {  	[tilespmem:s26], [sflag:$0x1] =	stream.linear.gather [hbm4b:s4+s2], $0x80, $0x38;
	[tilespmem:$0x4000] =	vst v63  }
0x1b6: {  	_ = 	snop  }
0x1b7: {  	[tilespmem:s29], [sflag:$0x1] =	stream.linear.gather [hbm4b:s5+s2], $0x80, $0x38;
	[tilespmem:$0x4000] =	vst v63  }
0x1b8: {  	_ =	swait.ge [sflag:s30], $0x2000  }
0x1b9: {  	[sflag:s30] =	ssyncset.done $0x0  }
0x1ba: {  	[sflag:s30] =	ssyncadd.s32 $0xFFFFE000  }
0x1bb: {  	_ =	swait.ge [sflag:s30], $0x100  }
0x1bc: {  	[sflag:s30] =	ssyncset.done $0x0  }
0x1bd: {  	[sflag:s30] =	ssyncadd.s32 $0xFFFFFF00  }
0x1be: {  	_ =	swait.ge [sflag:s30], $0x100  }
0x1bf: {  	[sflag:s30] =	ssyncset.done $0x0  }
0x1c0: {  	[sflag:s30] =	ssyncadd.s32 $0xFFFFFF00  }
0x1c1: {  	_ =	swait.ge [sflag:s30], $0x100  }
0x1c2: {  	[sflag:s30] =	ssyncset.done $0x0  }
0x1c3: {  	[sflag:s30] =	ssyncadd.s32 $0xFFFFFF00  }
0x1c4: {  	_ =	swait.ge [sflag:s30], $0x100  }
0x1c5: {  	[sflag:s30] =	ssyncset.done $0x0  }
0x1c6: {  	[sflag:s30] =	ssyncadd.s32 $0xFFFFFF00  }
0x1c7: {  	_ =	swait.ge [sflag:s30], $0x100  }
0x1c8: {  	[sflag:s30] =	ssyncset.done $0x0  }
0x1c9: {  	[sflag:s30] =	ssyncadd.s32 $0xFFFFFF00  }
0x1ca: {  	_ =	swait.ge [sflag:s30], $0x100  }
0x1cb: {  	[sflag:s30] =	ssyncset.done $0x0  }
0x1cc: {  	[sflag:s30] =	ssyncadd.s32 $0xFFFFFF00  }
0x1cd: {  	_ =	swait.ge [sflag:s30], $0x100  }
0x1ce: {  	[sflag:s30] =	ssyncset.done $0x0  }
0x1cf: {  	[sflag:s30] =	ssyncadd.s32 $0xFFFFFF00  }
0x1d0: {  	_ =	swait.ge [sflag:s30], $0x100  }
0x1d1: {  	[sflag:s30] =	ssyncset.done $0x0  }
0x1d2: {  	[sflag:s30] =	ssyncadd.s32 $0xFFFFFF00  }
0x1d3: {  	_ =	swait.ge [sflag:s30], $0x100  }
0x1d4: {  	[sflag:s30] =	ssyncset.done $0x0  }
0x1d5: {  	[sflag:s30] =	ssyncadd.s32 $0xFFFFFF00  }
0x1d6: {  	_ =	swait.ge [sflag:s30], $0x100  }
0x1d7: {  	[sflag:s30] =	ssyncset.done $0x0  }
0x1d8: {  	[sflag:s30] =	ssyncadd.s32 $0xFFFFFF00  }
0x1d9: {  	_ =	swait.ge [sflag:s30], $0x100  }
0x1da: {  	[sflag:s30] =	ssyncset.done $0x0  }
0x1db: {  	[sflag:s30] =	ssyncadd.s32 $0xFFFFFF00  }
0x1dc: {  	_ =	swait.ge [sflag:s30], $0x100  }
0x1dd: {  	[sflag:s30] =	ssyncset.done $0x0  }
0x1de: {  	[sflag:s30] =	ssyncadd.s32 $0xFFFFFF00  }
0x1df: {  	_ =	swait.ge [sflag:s30], $0x100  }
0x1e0: {  	[sflag:s30] =	ssyncset.done $0x0  }
0x1e1: {  	[sflag:s30] =	ssyncadd.s32 $0xFFFFFF00  }
0x1e2: {  	_ =	swait.ge [sflag:s30], $0x100  }
0x1e3: {  	[sflag:s30] =	ssyncset.done $0x0  }
0x1e4: {  	[sflag:s30] =	ssyncadd.s32 $0xFFFFFF00  }
0x1e5: {  	_ =	swait.ge [sflag:s30], $0x100  }
0x1e6: {  	[sflag:s30] =	ssyncset.done $0x0  }
0x1e7: {  	[sflag:s30] =	ssyncadd.s32 $0xFFFFFF00  }
0x1e8: {  	_ =	swait.ge [sflag:s30], $0x100  }
0x1e9: {  	[sflag:s30] =	ssyncset.done $0x0  }
0x1ea: {  	[sflag:s30] =	ssyncadd.s32 $0xFFFFFF00  }
0x1eb: {  	_ =	swait.ge [sflag:s30], $0x100  }
0x1ec: {  	[sflag:s30] =	ssyncset.done $0x0  }
0x1ed: {  	[sflag:s30] =	ssyncadd.s32 $0xFFFFFF00  }
0x1ee: {  	_ =	swait.ge [sflag:s30], $0x100  }
0x1ef: {  	[sflag:s30] =	ssyncset.done $0x0  }
0x1f0: {  	[sflag:s30] =	ssyncadd.s32 $0xFFFFFF00  }
0x1f1: {  	_ =	swait.ge [sflag:s30], $0x100  }
0x1f2: {  	[sflag:s30] =	ssyncset.done $0x0  }
0x1f3: {  	[sflag:s30] =	ssyncadd.s32 $0xFFFFFF00  }
0x1f4: {  	_ =	swait.ge [sflag:s30], $0x100  }
0x1f5: {  	[sflag:s30] =	ssyncset.done $0x0  }
0x1f6: {  	[sflag:s30] =	ssyncadd.s32 $0xFFFFFF00  }
0x1f7: {  	_ =	swait.ge [sflag:s30], $0x100  }
0x1f8: {  	[sflag:s30] =	ssyncset.done $0x0  }
0x1f9: {  	[sflag:s30] =	ssyncadd.s32 $0xFFFFFF00  }
0x1fa: {  	_ =	swait.ge [sflag:s30], $0x100  }
0x1fb: {  	[sflag:s30] =	ssyncset.done $0x0  }
0x1fc: {  	[sflag:s30] =	ssyncadd.s32 $0xFFFFFF00  }
0x1fd: {  	_ =	swait.ge [sflag:s30], $0x100  }
0x1fe: {  	[sflag:s30] =	ssyncset.done $0x0  }
0x1ff: {  	[sflag:s30] =	ssyncadd.s32 $0xFFFFFF00  }
0x200: {  	_ =	swait.ge [sflag:s30], $0x100  }
0x201: {  	[sflag:s30] =	ssyncset.done $0x0  }
0x202: {  	[sflag:s30] =	ssyncadd.s32 $0xFFFFFF00  }
0x203: {  	_ =	swait.ge [sflag:s30], $0x100  }
0x204: {  	[sflag:s30] =	ssyncset.done $0x0  }
0x205: {  	[sflag:s30] =	ssyncadd.s32 $0xFFFFFF00  }
0x206: {  	_ =	swait.ge [sflag:s30], $0x100  }
0x207: {  	[sflag:s30] =	ssyncset.done $0x0  }
0x208: {  	[sflag:s30] =	ssyncadd.s32 $0xFFFFFF00  }
0x209: {  	_ =	swait.ge [sflag:s30], $0x100  }
0x20a: {  	[sflag:s30] =	ssyncset.done $0x0  }
0x20b: {  	[sflag:s30] =	ssyncadd.s32 $0xFFFFFF00  }
0x20c: {  	_ =	swait.ge [sflag:s30], $0x100  }
0x20d: {  	[sflag:s30] =	ssyncset.done $0x0  }
0x20e: {  	[sflag:s30] =	ssyncadd.s32 $0xFFFFFF00  }
0x20f: {  	_ =	swait.ge [sflag:s30], $0x100  }
0x210: {  	[sflag:s30] =	ssyncset.done $0x0  }
0x211: {  	[sflag:s30] =	ssyncadd.s32 $0xFFFFFF00  }
0x212: {  	_ =	swait.ge [sflag:s30], $0x100  }
0x213: {  	[sflag:s30] =	ssyncset.done $0x0  }
0x214: {  	[sflag:s30] =	ssyncadd.s32 $0xFFFFFF00  }
0x215: {  	_ =	swait.ge [sflag:s30], $0x100  }
0x216: {  	[sflag:s30] =	ssyncset.done $0x0  }
0x217: {  	[sflag:s30] =	ssyncadd.s32 $0xFFFFFF00  }
0x218: {  	_ =	swait.ge [sflag:s30], $0x100  }
0x219: {  	[sflag:s30] =	ssyncset.done $0x0  }
0x21a: {  	[sflag:s30] =	ssyncadd.s32 $0xFFFFFF00  }
0x21b: {  	[hbm4b:s28+s2] =	stream.linear.scatter [tilespmem:s2], [sflag:$0x2], $0x4000, $0x38;
	[tilespmem:$0x4000] =	vst v63  }
0x21c: {  	p0 =	sne.s32 s0, $0x1;
	s8 =	rddreg [dreg:$0x4]  }
0x21d: {  	[hbm4b:s8+s2] =	stream.linear.scatter [tilespmem:s2], [sflag:$0x2], $0x4000, $0x38;
	[tilespmem:$0x4000] =	vst v63  }
.Ltmp1:
0x21e: {  	_ =	swait.ge [sflag:s31], $0x4000;
	(pc) =	sbr.rel @p0 .LBB2_1-.Ltmp1, $4  }
0x21f: {  	[sflag:s31] =	ssyncset.done $0x0  }
0x220: {  	[sflag:s31] =	ssyncadd.s32 $0xFFFFC000  }
0x221: {  	_ =	swait.ge [sflag:s31], $0x4000  }
0x222: {  	s0 =	sadd.s32 $0xFFFFFFFF, s0;
	[sflag:s31] =	ssyncset.done $0x0  }
.LBB2_2:
0x223: {  	[sflag:s31] =	ssyncadd.s32 $0xFFFFC000  }
0x224: {  	_ =	sfence.sel $0x180000  }
0x225: {  	[bflag:$0x0] =	sbarrier.arrive $0xFFFF  }
0x226: {  	_ =	strace $0x90000047  }
0x227: {  	s0 =	stileid.u32;
	[bflag:$0x2] =	sbarrier.arrive $0xFFFF  }
0x228: {  	p0 =	sne.s32 s0, $0x0;
	s0 =	rddreg [dreg:$0x3]  }
0x229: {  	s0 =	sadd.s32 @!p0 $0x100000, s0  }
0x22a: {  	[sflag:s0] =	ssyncadd.tile.s32 @!p0 $0x1;
	_ =	shalt  }
.Lfunc_end2:
_tile_overlayer_lowered:
.L_overlay_start_2:
0x22b: {  	(tag) =	ssettag $0x2  }
0x22c: {  	s0 =	rddreg [dreg:$0x0];
	s2 =	stileid.u32  }
0x22d: {  	s1 =	rddreg [dreg:$0x1];
	p0 =	sne.s32 s2, $0x0  }
0x22e: {  	s3 =	rddreg [dreg:$0x2];
	[bflag:$0x3] =	sbarrier.arrive $0xFFFF;
	s2 =	simm.s32 @!p0 $0x1C03  }
0x22f: {  	[timem:s3], [sflag:s2] =	dma.local @!p0 [hbm:s0], s1  }
0x230: {  	s0 =	simm.s32 @!p0 $0x3  }
0x231: {  	_ =	swait.ge @!p0 [sflag:s0], s1  }
0x232: {  	s1 =	ssub.s32 @!p0 $0x0, s1;
	[sflag:s0] =	ssyncset.done @!p0 $0x0  }
0x233: {  	[sflag:s0] =	ssyncadd.s32 @!p0 s1  }
0x234: {  	[bflag:$0x3] =	sbarrier.arrive $0xFFFF  }
0x235: {  	_ =	shalt  }

</sc_bundles>
